<compile_context>
chip_gen: v7x
topology: tpu7x:2x2x1
jax: 0.10.2.dev20260603
libtpu: 0.0.44.dev20260713+nightly
codegen_flags: <defaults>
</compile_context>

<pallas_src>
import functools

import jax
import jax.numpy as jnp
from jax import lax
from jax.experimental import pallas as pl
from jax.experimental.pallas import tpu as pltpu
from jax.experimental.pallas import tpu_sc as plsc

_NUM_ENVS = 1024
_NUM_AGENTS = 32
_D_IN = 128
_D_GCN = 64
_E_PER = 512

_NW = 32
_EPW = _NUM_ENVS // _NW
_AA = _NUM_AGENTS * _NUM_AGENTS
_WPE = _E_PER // 2
_CPE = _AA // 2


def _tc_pack_edges(edge_index):
    B = 256

    def body(e_ref, out_ref):
        row = e_ref[:, 0, :]
        col = e_ref[:, 1, :]
        loc = col * _NUM_AGENTS + row
        out_ref[...] = loc[:, :_WPE] | (loc[:, _WPE:] << 16)

    return pl.pallas_call(
        body,
        grid=(_NUM_ENVS // B,),
        in_specs=[pl.BlockSpec((B, 2, _E_PER), lambda i: (i, 0, 0))],
        out_specs=pl.BlockSpec((B, _WPE), lambda i: (i, 0)),
        out_shape=jax.ShapeDtypeStruct((_NUM_ENVS, _WPE), jnp.int32),
    )(edge_index)


def _sc_edge_counts(ew_flat):
    mesh = plsc.VectorSubcoreMesh(core_axis_name="c", subcore_axis_name="s")

    @functools.partial(
        pl.kernel,
        mesh=mesh,
        compiler_params=pltpu.CompilerParams(needs_layout_passes=False),
        out_type=jax.ShapeDtypeStruct((_NUM_ENVS * _CPE,), jnp.int32),
        scratch_types=[
            pltpu.VMEM((_EPW * _WPE,), jnp.int32),
            pltpu.VMEM((_EPW * _AA,), jnp.int32),
            pltpu.VMEM((_EPW * _CPE,), jnp.int32),
        ],
    )
    def k(ew_hbm, out_hbm, ew_v, acc_v, pack_v):
        wid = lax.axis_index("s") * 2 + lax.axis_index("c")
        base = wid * _EPW
        pltpu.sync_copy(ew_hbm.at[pl.ds(base * _WPE, _EPW * _WPE)], ew_v)

        zeros = jnp.zeros((16,), jnp.int32)
        ones = jnp.ones((16,), jnp.int32)
        iota = lax.iota(jnp.int32, 16)

        def zero_chunk(c, carry):
            acc_v[pl.ds(c * 16, 16)] = zeros
            return carry

        lax.fori_loop(0, _EPW * _AA // 16, zero_chunk, 0, unroll=8)

        def do_env(e, carry):
            ebase = e * _WPE
            abase = e * _AA

            def do_chunk(c, carry2):
                w16 = ew_v[pl.ds(ebase + c * 16, 16)]
                lo = (w16 & 0xFFFF) + abase
                hi = lax.shift_right_logical(w16, 16) + abase
                plsc.addupdate_scatter(acc_v, [lo], ones)
                plsc.addupdate_scatter(acc_v, [hi], ones)
                return carry2

            lax.fori_loop(0, _WPE // 16, do_chunk, 0, unroll=4)
            plsc.addupdate_scatter(acc_v, [iota * 33 + abase], ones)
            plsc.addupdate_scatter(acc_v, [(iota + 16) * 33 + abase], ones)
            return carry

        lax.fori_loop(0, _EPW, do_env, 0)

        def pack_env(e, carry):
            abase = e * _AA
            pbase = e * _CPE

            def pack_chunk(c, carry2):
                a = acc_v[pl.ds(abase + c * 16, 16)]
                b = acc_v[pl.ds(abase + _CPE + c * 16, 16)]
                pack_v[pl.ds(pbase + c * 16, 16)] = a | (b << 16)
                return carry2

            return lax.fori_loop(0, _CPE // 16, pack_chunk, carry, unroll=4)

        lax.fori_loop(0, _EPW, pack_env, 0)
        pltpu.sync_copy(pack_v, out_hbm.at[pl.ds(base * _CPE, _EPW * _CPE)])

    return k(ew_flat)


_E_B = 128


def _tc_forward(x2, Cw, W_xh, b_h, W_ir, W_iz, W_in, c_r, c_z, c_n, b_hn, Wl, b_l):
    grid = _NUM_ENVS // _E_B
    R = _E_B * _NUM_AGENTS

    def body(x_ref, c_ref, wxh_ref, bh_ref, wir_ref, wiz_ref, win_ref,
             cr_ref, cz_ref, cn_ref, bhn_ref, wl_ref, bl_ref,
             val_ref, hid_ref):
        h = jnp.dot(x_ref[...], wxh_ref[...],
                    preferred_element_type=jnp.float32) + bh_ref[...]
        w = c_ref[...]
        clo = (w & 0xFFFF).astype(jnp.float32)
        chi = lax.shift_right_logical(w, 16).astype(jnp.float32)
        Cb = jnp.concatenate([clo, chi], axis=1).reshape(_E_B, _NUM_AGENTS, _NUM_AGENTS)
        deg = jnp.sum(Cb, axis=2)
        dis = lax.rsqrt(deg)
        h3 = h.reshape(_E_B, _NUM_AGENTS, _D_GCN) * dis[:, :, None]
        m = lax.dot_general(Cb, h3, (((2,), (1,)), ((0,), (0,))),
                            preferred_element_type=jnp.float32)
        m = m * dis[:, :, None]
        m2 = m.reshape(R, _D_GCN)
        r = jax.nn.sigmoid(jnp.dot(m2, wir_ref[...], preferred_element_type=jnp.float32) + cr_ref[...])
        z = jax.nn.sigmoid(jnp.dot(m2, wiz_ref[...], preferred_element_type=jnp.float32) + cz_ref[...])
        n = jnp.tanh(jnp.dot(m2, win_ref[...], preferred_element_type=jnp.float32)
                     + cn_ref[...] + r * bhn_ref[...])
        hn = (1.0 - z) * n
        hn3 = hn.reshape(_E_B, _NUM_AGENTS, _D_GCN)
        hnT = jnp.concatenate(
            [jnp.transpose(hn3[:, a, :]) for a in range(_NUM_AGENTS)], axis=0)
        hid_ref[...] = hnT
        val_ref[...] = jnp.dot(wl_ref[...], hnT,
                               preferred_element_type=jnp.float32) + bl_ref[...]

    full = lambda shape: pl.BlockSpec(shape, lambda i: (0,) * len(shape))
    return pl.pallas_call(
        body,
        grid=(grid,),
        in_specs=[
            pl.BlockSpec((R, _D_IN), lambda i: (i, 0)),
            pl.BlockSpec((_E_B, _CPE), lambda i: (i, 0)),
            full((_D_IN, _D_GCN)),
            full((1, _D_GCN)),
            full((_D_GCN, _D_GCN)),
            full((_D_GCN, _D_GCN)),
            full((_D_GCN, _D_GCN)),
            full((1, _D_GCN)),
            full((1, _D_GCN)),
            full((1, _D_GCN)),
            full((1, _D_GCN)),
            full((1, _NUM_AGENTS * _D_GCN)),
            full((1, 1)),
        ],
        out_specs=[
            pl.BlockSpec((1, _E_B), lambda i: (0, i)),
            pl.BlockSpec((_NUM_AGENTS * _D_GCN, _E_B), lambda i: (0, i)),
        ],
        out_shape=[
            jax.ShapeDtypeStruct((1, _NUM_ENVS), jnp.float32),
            jax.ShapeDtypeStruct((_NUM_AGENTS * _D_GCN, _NUM_ENVS), jnp.float32),
        ],
    )(x2, Cw, W_xh, b_h, W_ir, W_iz, W_in, c_r, c_z, c_n, b_hn, Wl, b_l)


def kernel(x, edge_index, W_pre, b_pre, W_gcn, b_gcn, W_ih, W_hh, b_ih, b_hh, W_lin, b_lin):
    ew = _tc_pack_edges(edge_index.astype(jnp.int32))
    Cp = _sc_edge_counts(ew.reshape(_NUM_ENVS * _WPE))
    Cw = Cp.reshape(_NUM_ENVS, _CPE)

    x2 = x.reshape(_NUM_ENVS * _NUM_AGENTS, _D_IN)
    W_xh = W_pre.T @ W_gcn.T
    b_h = (b_pre @ W_gcn.T)[None]
    W_ir = W_ih[:_D_GCN].T
    W_iz = W_ih[_D_GCN:2 * _D_GCN].T
    W_in = W_ih[2 * _D_GCN:].T
    c_r = (b_ih[:_D_GCN] + b_hh[:_D_GCN] + b_gcn @ W_ih[:_D_GCN].T)[None]
    c_z = (b_ih[_D_GCN:2 * _D_GCN] + b_hh[_D_GCN:2 * _D_GCN]
           + b_gcn @ W_ih[_D_GCN:2 * _D_GCN].T)[None]
    c_n = (b_ih[2 * _D_GCN:] + b_gcn @ W_ih[2 * _D_GCN:].T)[None]
    b_hn = b_hh[2 * _D_GCN:][None]
    b_l = b_lin.reshape(1, 1)

    valT, hidT = _tc_forward(x2, Cw, W_xh, b_h, W_ir, W_iz, W_in,
                             c_r, c_z, c_n, b_hn, W_lin, b_l)
    value = valT.reshape(_NUM_ENVS, 1)
    next_hidden = jnp.transpose(
        hidT.reshape(_NUM_AGENTS, _D_GCN, _NUM_ENVS), (2, 0, 1))
    return (value, next_hidden)

# --- scband reference (transcript-rebuilt; emitter-appended) ---
"""Pipeline reference for scband-simple-multi-agent-value-module-gcn-41214506172576 (READ-ONLY COPY).

The authoritative reference and input builder live on the scoring server;
editing this copy changes nothing except your own understanding.
"""

import jax, jax.numpy as jnp
import numpy as np

NUM_ENVS = 1024
NUM_AGENTS = 32
D_IN = 128
D_GCN = 64
D_RNN = 64
E_PER = 512


def setup_inputs(seed: int = 0) -> dict:
    key = jax.random.key(seed)
    ks = jax.random.split(key, 16)
    x = jax.random.normal(ks[0], (NUM_ENVS, NUM_AGENTS, D_IN), dtype=jnp.float32)
    edge_index = jax.random.randint(ks[1], (NUM_ENVS, 2, E_PER), 0, NUM_AGENTS).astype(jnp.int64)
    s = 0.05
    W_pre = jax.random.normal(ks[2], (D_GCN, D_IN), dtype=jnp.float32) * s
    b_pre = jax.random.normal(ks[3], (D_GCN,), dtype=jnp.float32) * s
    W_gcn = jax.random.normal(ks[4], (D_GCN, D_GCN), dtype=jnp.float32) * s
    b_gcn = jax.random.normal(ks[5], (D_GCN,), dtype=jnp.float32) * s
    W_ih = jax.random.normal(ks[6], (3 * D_RNN, D_GCN), dtype=jnp.float32) * s
    W_hh = jax.random.normal(ks[7], (3 * D_RNN, D_RNN), dtype=jnp.float32) * s
    b_ih = jax.random.normal(ks[8], (3 * D_RNN,), dtype=jnp.float32) * s
    b_hh = jax.random.normal(ks[9], (3 * D_RNN,), dtype=jnp.float32) * s
    W_lin = jax.random.normal(ks[10], (1, D_RNN * NUM_AGENTS), dtype=jnp.float32) * s
    b_lin = jax.random.normal(ks[11], (1,), dtype=jnp.float32) * s
    return {"x": x, "edge_index": edge_index, "W_pre": W_pre, "b_pre": b_pre,
            "W_gcn": W_gcn, "b_gcn": b_gcn, "W_ih": W_ih, "W_hh": W_hh,
            "b_ih": b_ih, "b_hh": b_hh, "W_lin": W_lin, "b_lin": b_lin}


def reference(x, edge_index, W_pre, b_pre, W_gcn, b_gcn, W_ih, W_hh, b_ih, b_hh, W_lin, b_lin):
    num_envs = x.shape[0]
    num_agents = NUM_AGENTS
    N = num_envs * num_agents
    x_flat = x.reshape(N, -1)
    # pre_gcn_linear (input_x_dim != gcn_hidden_dim)
    x_flat = x_flat @ W_pre.T + b_pre
    # edge index flattening with per-env offsets (matches torch permute/offset/reshape)
    ei_perm = jnp.transpose(edge_index, (0, 2, 1))  # [envs, E, 2]
    offsets = (jnp.arange(num_envs) * num_agents).reshape(-1, 1, 1)
    ei_off = ei_perm + offsets
    ei_flat = ei_off.reshape(-1, 2).T  # [2, total_E]
    # GCNConv (PyG semantics: add self loops, symmetric normalization)
    row = ei_flat[0]
    col = ei_flat[1]
    loops = jnp.arange(N)
    row = jnp.concatenate([row, loops])
    col = jnp.concatenate([col, loops])
    h = x_flat @ W_gcn.T  # linear (no bias) before propagate
    deg = jnp.zeros((N,), dtype=jnp.float32).at[col].add(1.0)
    deg_inv_sqrt = jnp.where(deg > 0, deg ** -0.5, 0.0)
    norm = deg_inv_sqrt[row] * deg_inv_sqrt[col]
    msg = norm[:, None] * h[row]
    gcn_out = jnp.zeros((N, D_GCN), dtype=jnp.float32).at[col].add(msg) + b_gcn
    # GRU with seq_len=1, zero initial hidden state
    h0 = jnp.zeros((N, D_RNN), dtype=jnp.float32)
    gi = gcn_out @ W_ih.T + b_ih
    gh = h0 @ W_hh.T + b_hh
    i_r, i_z, i_n = jnp.split(gi, 3, axis=1)
    h_r, h_z, h_n = jnp.split(gh, 3, axis=1)
    r = jax.nn.sigmoid(i_r + h_r)
    z = jax.nn.sigmoid(i_z + h_z)
    n = jnp.tanh(i_n + r * h_n)
    h_new = (1.0 - z) * n + z * h0
    rnn_out = h_new.reshape(num_envs, num_agents, D_RNN)
    flat = rnn_out.reshape(num_envs, -1)
    value = flat @ W_lin.T + b_lin
    next_hidden = h_new.reshape(num_envs, num_agents, D_RNN)
    return (value, next_hidden)

if __name__ == "__main__":
    import jax
    _d = setup_inputs()
    print(jax.jit(kernel)(*tuple(_d.values())))

</pallas_src>

<mosaic_0001>
#map = affine_map<(d0, d1) -> (0)>
module attributes {stable_mosaic.version = 14 : i64} {
  func.func @k(%arg0: i32, %arg1: i32, %arg2: memref<262144xi32, #tpu.memory_space<hbm>>, %arg3: memref<524288xi32, #tpu.memory_space<hbm>>, %arg4: memref<8192xi32, #tpu.memory_space<vmem>>, %arg5: memref<32768xi32, #tpu.memory_space<vmem>>, %arg6: memref<16384xi32, #tpu.memory_space<vmem>>) attributes {dimension_semantics = [#tpu.dimension_semantics<core_parallel>, #tpu.dimension_semantics<subcore_parallel>], iteration_bounds = array<i64: 2, 16>, scalar_prefetch = 0 : i64, scratch_operands = 3 : i64, tpu.core_type = #tpu.core_type<sc_vector_subcore>, window_params = [{transform_indices = #map}, {transform_indices = #map}]} {
    %mul3A = arith.constant 2 : i32
    %mul3A_0 = arith.muli %arg1, %mul3A : i32
    %add3A = arith.addi %mul3A_0, %arg0 : i32
    %mul3A_1 = arith.constant 32 : i32
    %mul3A_2 = arith.muli %add3A, %mul3A_1 : i32
    %mul3A_3 = arith.constant 256 : i32
    %mul3A_4 = arith.muli %mul3A_2, %mul3A_3 : i32
    "tpu.region"() ({
      %run_scoped3A = tpu.sem_alloc : memref<!tpu.dma_semaphore, #tpu.memory_space<semaphore_mem>>
      %dma_start3A = tpu.memref_slice %arg2[%mul3A_4] : memref<262144xi32, #tpu.memory_space<hbm>> -> memref<8192xi32, #tpu.memory_space<hbm>>
      %dma_start3A_27 = tpu.memref_slice %arg2[%mul3A_4] : memref<262144xi32, #tpu.memory_space<hbm>> -> memref<8192xi32, #tpu.memory_space<hbm>>
      tpu.enqueue_dma source(%dma_start3A_27 : memref<8192xi32, #tpu.memory_space<hbm>>) target(%arg4 : memref<8192xi32, #tpu.memory_space<vmem>>) target_semaphore(%run_scoped3A : memref<!tpu.dma_semaphore, #tpu.memory_space<semaphore_mem>>)
      %dma_wait3A = tpu.memref_slice %arg2[%mul3A_4] : memref<262144xi32, #tpu.memory_space<hbm>> -> memref<8192xi32, #tpu.memory_space<hbm>>
      %dma_wait3A_28 = tpu.memref_slice %arg2[%mul3A_4] : memref<262144xi32, #tpu.memory_space<hbm>> -> memref<8192xi32, #tpu.memory_space<hbm>>
      tpu.wait_dma2 semaphore(%run_scoped3A : memref<!tpu.dma_semaphore, #tpu.memory_space<semaphore_mem>>) src(%dma_wait3A_28 : memref<8192xi32, #tpu.memory_space<hbm>>) dst(%arg4 : memref<8192xi32, #tpu.memory_space<vmem>>)
      tpu.yield
    }) : () -> ()
    %broadcast_in_dim3A = arith.constant 0 : i32
    %broadcast_in_dim3A_5 = vector.broadcast %broadcast_in_dim3A : i32 to vector<16xi32>
    %broadcast_in_dim3A_6 = arith.constant 1 : i32
    %broadcast_in_dim3A_7 = vector.broadcast %broadcast_in_dim3A_6 : i32 to vector<16xi32>
    %iota3A = tpu.iota {dimensions = array<i32: 0>} : vector<16xi32>
    %scan3A = arith.constant 0 : i32
    %scan3A_8 = arith.constant 0 : i32
    %scan3A_9 = arith.constant 2048 : i32
    %scan3A_10 = arith.addi %scan3A_8, %scan3A_9 : i32
    %scan3A_11 = arith.constant 8 : i32
    scf.for %scan3A_27 = %scan3A_8 to %scan3A_10 step %scan3A_11  : i32 {
      %mul3A_28 = arith.constant 16 : i32
      %mul3A_29 = arith.muli %scan3A_27, %mul3A_28 : i32
      %swap3A = arith.index_cast %mul3A_29 : i32 to index
      %swap3A_30 = tpu.vector_load %arg5[%swap3A] {strides = array<i32>} : memref<32768xi32, #tpu.memory_space<vmem>>, vector<16xi32>,
      tpu.vector_store %arg5[%swap3A], %broadcast_in_dim3A_5 {strides = array<i32>} : memref<32768xi32, #tpu.memory_space<vmem>>, vector<16xi32>,
      %scan3A_31 = arith.constant 1 : i32
      %scan3A_32 = arith.addi %scan3A_27, %scan3A_31 : i32
      %mul3A_33 = arith.constant 16 : i32
      %mul3A_34 = arith.muli %scan3A_32, %mul3A_33 : i32
      %swap3A_35 = arith.index_cast %mul3A_34 : i32 to index
      %swap3A_36 = tpu.vector_load %arg5[%swap3A_35] {strides = array<i32>} : memref<32768xi32, #tpu.memory_space<vmem>>, vector<16xi32>,
      tpu.vector_store %arg5[%swap3A_35], %broadcast_in_dim3A_5 {strides = array<i32>} : memref<32768xi32, #tpu.memory_space<vmem>>, vector<16xi32>,
      %scan3A_37 = arith.constant 2 : i32
      %scan3A_38 = arith.addi %scan3A_27, %scan3A_37 : i32
      %mul3A_39 = arith.constant 16 : i32
      %mul3A_40 = arith.muli %scan3A_38, %mul3A_39 : i32
      %swap3A_41 = arith.index_cast %mul3A_40 : i32 to index
      %swap3A_42 = tpu.vector_load %arg5[%swap3A_41] {strides = array<i32>} : memref<32768xi32, #tpu.memory_space<vmem>>, vector<16xi32>,
      tpu.vector_store %arg5[%swap3A_41], %broadcast_in_dim3A_5 {strides = array<i32>} : memref<32768xi32, #tpu.memory_space<vmem>>, vector<16xi32>,
      %scan3A_43 = arith.constant 3 : i32
      %scan3A_44 = arith.addi %scan3A_27, %scan3A_43 : i32
      %mul3A_45 = arith.constant 16 : i32
      %mul3A_46 = arith.muli %scan3A_44, %mul3A_45 : i32
      %swap3A_47 = arith.index_cast %mul3A_46 : i32 to index
      %swap3A_48 = tpu.vector_load %arg5[%swap3A_47] {strides = array<i32>} : memref<32768xi32, #tpu.memory_space<vmem>>, vector<16xi32>,
      tpu.vector_store %arg5[%swap3A_47], %broadcast_in_dim3A_5 {strides = array<i32>} : memref<32768xi32, #tpu.memory_space<vmem>>, vector<16xi32>,
      %scan3A_49 = arith.constant 4 : i32
      %scan3A_50 = arith.addi %scan3A_27, %scan3A_49 : i32
      %mul3A_51 = arith.constant 16 : i32
      %mul3A_52 = arith.muli %scan3A_50, %mul3A_51 : i32
      %swap3A_53 = arith.index_cast %mul3A_52 : i32 to index
      %swap3A_54 = tpu.vector_load %arg5[%swap3A_53] {strides = array<i32>} : memref<32768xi32, #tpu.memory_space<vmem>>, vector<16xi32>,
      tpu.vector_store %arg5[%swap3A_53], %broadcast_in_dim3A_5 {strides = array<i32>} : memref<32768xi32, #tpu.memory_space<vmem>>, vector<16xi32>,
      %scan3A_55 = arith.constant 5 : i32
      %scan3A_56 = arith.addi %scan3A_27, %scan3A_55 : i32
      %mul3A_57 = arith.constant 16 : i32
      %mul3A_58 = arith.muli %scan3A_56, %mul3A_57 : i32
      %swap3A_59 = arith.index_cast %mul3A_58 : i32 to index
      %swap3A_60 = tpu.vector_load %arg5[%swap3A_59] {strides = array<i32>} : memref<32768xi32, #tpu.memory_space<vmem>>, vector<16xi32>,
      tpu.vector_store %arg5[%swap3A_59], %broadcast_in_dim3A_5 {strides = array<i32>} : memref<32768xi32, #tpu.memory_space<vmem>>, vector<16xi32>,
      %scan3A_61 = arith.constant 6 : i32
      %scan3A_62 = arith.addi %scan3A_27, %scan3A_61 : i32
      %mul3A_63 = arith.constant 16 : i32
      %mul3A_64 = arith.muli %scan3A_62, %mul3A_63 : i32
      %swap3A_65 = arith.index_cast %mul3A_64 : i32 to index
      %swap3A_66 = tpu.vector_load %arg5[%swap3A_65] {strides = array<i32>} : memref<32768xi32, #tpu.memory_space<vmem>>, vector<16xi32>,
      tpu.vector_store %arg5[%swap3A_65], %broadcast_in_dim3A_5 {strides = array<i32>} : memref<32768xi32, #tpu.memory_space<vmem>>, vector<16xi32>,
      %scan3A_67 = arith.constant 7 : i32
      %scan3A_68 = arith.addi %scan3A_27, %scan3A_67 : i32
      %mul3A_69 = arith.constant 16 : i32
      %mul3A_70 = arith.muli %scan3A_68, %mul3A_69 : i32
      %swap3A_71 = arith.index_cast %mul3A_70 : i32 to index
      %swap3A_72 = tpu.vector_load %arg5[%swap3A_71] {strides = array<i32>} : memref<32768xi32, #tpu.memory_space<vmem>>, vector<16xi32>,
      tpu.vector_store %arg5[%swap3A_71], %broadcast_in_dim3A_5 {strides = array<i32>} : memref<32768xi32, #tpu.memory_space<vmem>>, vector<16xi32>,
    }
    %scan3A_12 = arith.constant 2048 : i32
    %scan3A_13 = arith.constant 0 : i32
    %scan3A_14 = arith.constant 0 : i32
    %scan3A_15 = arith.constant 32 : i32
    %scan3A_16 = arith.addi %scan3A_14, %scan3A_15 : i32
    %scan3A_17 = arith.constant 1 : i32
    scf.for %scan3A_27 = %scan3A_14 to %scan3A_16 step %scan3A_17  : i32 {
      %mul3A_28 = arith.constant 256 : i32
      %mul3A_29 = arith.muli %scan3A_27, %mul3A_28 : i32
      %mul3A_30 = arith.constant 1024 : i32
      %mul3A_31 = arith.muli %scan3A_27, %mul3A_30 : i32
      %scan3A_32 = arith.constant 0 : i32
      %scan3A_33 = arith.constant 0 : i32
      %scan3A_34 = arith.constant 16 : i32
      %scan3A_35 = arith.addi %scan3A_33, %scan3A_34 : i32
      %scan3A_36 = arith.constant 4 : i32
      scf.for %scan3A_51 = %scan3A_33 to %scan3A_35 step %scan3A_36  : i32 {
        %mul3A_52 = arith.constant 16 : i32
        %mul3A_53 = arith.muli %scan3A_51, %mul3A_52 : i32
        %add3A_54 = arith.addi %mul3A_29, %mul3A_53 : i32
        %get3A = arith.index_cast %add3A_54 : i32 to index
        %get3A_55 = tpu.vector_load %arg4[%get3A] {strides = array<i32>} : memref<8192xi32, #tpu.memory_space<vmem>>, vector<16xi32>,
        %and3A = arith.constant 65535 : i32
        %and3A_56 = vector.broadcast %and3A : i32 to vector<16xi32>
        %and3A_57 = arith.andi %get3A_55, %and3A_56 : vector<16xi32>
        %add3A_58 = vector.broadcast %mul3A_31 : i32 to vector<16xi32>
        %add3A_59 = arith.addi %and3A_57, %add3A_58 : vector<16xi32>
        %shift_right_logical3A = arith.constant 16 : i32
        %shift_right_logical3A_60 = vector.broadcast %shift_right_logical3A : i32 to vector<16xi32>
        %shift_right_logical3A_61 = arith.shrui %get3A_55, %shift_right_logical3A_60 : vector<16xi32>
        %add3A_62 = vector.broadcast %mul3A_31 : i32 to vector<16xi32>
        %add3A_63 = arith.addi %shift_right_logical3A_61, %add3A_62 : vector<16xi32>
        tpu.vector_store_idx %arg5[%add3A_59], %broadcast_in_dim3A_7 {add = true} : memref<32768xi32, #tpu.memory_space<vmem>>[vector<16xi32>], vector<16xi32>,
        tpu.vector_store_idx %arg5[%add3A_63], %broadcast_in_dim3A_7 {add = true} : memref<32768xi32, #tpu.memory_space<vmem>>[vector<16xi32>], vector<16xi32>,
        %scan3A_64 = arith.constant 1 : i32
        %scan3A_65 = arith.addi %scan3A_51, %scan3A_64 : i32
        %mul3A_66 = arith.constant 16 : i32
        %mul3A_67 = arith.muli %scan3A_65, %mul3A_66 : i32
        %add3A_68 = arith.addi %mul3A_29, %mul3A_67 : i32
        %get3A_69 = arith.index_cast %add3A_68 : i32 to index
        %get3A_70 = tpu.vector_load %arg4[%get3A_69] {strides = array<i32>} : memref<8192xi32, #tpu.memory_space<vmem>>, vector<16xi32>,
        %and3A_71 = arith.constant 65535 : i32
        %and3A_72 = vector.broadcast %and3A_71 : i32 to vector<16xi32>
        %and3A_73 = arith.andi %get3A_70, %and3A_72 : vector<16xi32>
        %add3A_74 = vector.broadcast %mul3A_31 : i32 to vector<16xi32>
        %add3A_75 = arith.addi %and3A_73, %add3A_74 : vector<16xi32>
        %shift_right_logical3A_76 = arith.constant 16 : i32
        %shift_right_logical3A_77 = vector.broadcast %shift_right_logical3A_76 : i32 to vector<16xi32>
        %shift_right_logical3A_78 = arith.shrui %get3A_70, %shift_right_logical3A_77 : vector<16xi32>
        %add3A_79 = vector.broadcast %mul3A_31 : i32 to vector<16xi32>
        %add3A_80 = arith.addi %shift_right_logical3A_78, %add3A_79 : vector<16xi32>
        tpu.vector_store_idx %arg5[%add3A_75], %broadcast_in_dim3A_7 {add = true} : memref<32768xi32, #tpu.memory_space<vmem>>[vector<16xi32>], vector<16xi32>,
        tpu.vector_store_idx %arg5[%add3A_80], %broadcast_in_dim3A_7 {add = true} : memref<32768xi32, #tpu.memory_space<vmem>>[vector<16xi32>], vector<16xi32>,
        %scan3A_81 = arith.constant 2 : i32
        %scan3A_82 = arith.addi %scan3A_51, %scan3A_81 : i32
        %mul3A_83 = arith.constant 16 : i32
        %mul3A_84 = arith.muli %scan3A_82, %mul3A_83 : i32
        %add3A_85 = arith.addi %mul3A_29, %mul3A_84 : i32
        %get3A_86 = arith.index_cast %add3A_85 : i32 to index
        %get3A_87 = tpu.vector_load %arg4[%get3A_86] {strides = array<i32>} : memref<8192xi32, #tpu.memory_space<vmem>>, vector<16xi32>,
        %and3A_88 = arith.constant 65535 : i32
        %and3A_89 = vector.broadcast %and3A_88 : i32 to vector<16xi32>
        %and3A_90 = arith.andi %get3A_87, %and3A_89 : vector<16xi32>
        %add3A_91 = vector.broadcast %mul3A_31 : i32 to vector<16xi32>
        %add3A_92 = arith.addi %and3A_90, %add3A_91 : vector<16xi32>
        %shift_right_logical3A_93 = arith.constant 16 : i32
        %shift_right_logical3A_94 = vector.broadcast %shift_right_logical3A_93 : i32 to vector<16xi32>
        %shift_right_logical3A_95 = arith.shrui %get3A_87, %shift_right_logical3A_94 : vector<16xi32>
        %add3A_96 = vector.broadcast %mul3A_31 : i32 to vector<16xi32>
        %add3A_97 = arith.addi %shift_right_logical3A_95, %add3A_96 : vector<16xi32>
        tpu.vector_store_idx %arg5[%add3A_92], %broadcast_in_dim3A_7 {add = true} : memref<32768xi32, #tpu.memory_space<vmem>>[vector<16xi32>], vector<16xi32>,
        tpu.vector_store_idx %arg5[%add3A_97], %broadcast_in_dim3A_7 {add = true} : memref<32768xi32, #tpu.memory_space<vmem>>[vector<16xi32>], vector<16xi32>,
        %scan3A_98 = arith.constant 3 : i32
        %scan3A_99 = arith.addi %scan3A_51, %scan3A_98 : i32
        %mul3A_100 = arith.constant 16 : i32
        %mul3A_101 = arith.muli %scan3A_99, %mul3A_100 : i32
        %add3A_102 = arith.addi %mul3A_29, %mul3A_101 : i32
        %get3A_103 = arith.index_cast %add3A_102 : i32 to index
        %get3A_104 = tpu.vector_load %arg4[%get3A_103] {strides = array<i32>} : memref<8192xi32, #tpu.memory_space<vmem>>, vector<16xi32>,
        %and3A_105 = arith.constant 65535 : i32
        %and3A_106 = vector.broadcast %and3A_105 : i32 to vector<16xi32>
        %and3A_107 = arith.andi %get3A_104, %and3A_106 : vector<16xi32>
        %add3A_108 = vector.broadcast %mul3A_31 : i32 to vector<16xi32>
        %add3A_109 = arith.addi %and3A_107, %add3A_108 : vector<16xi32>
        %shift_right_logical3A_110 = arith.constant 16 : i32
        %shift_right_logical3A_111 = vector.broadcast %shift_right_logical3A_110 : i32 to vector<16xi32>
        %shift_right_logical3A_112 = arith.shrui %get3A_104, %shift_right_logical3A_111 : vector<16xi32>
        %add3A_113 = vector.broadcast %mul3A_31 : i32 to vector<16xi32>
        %add3A_114 = arith.addi %shift_right_logical3A_112, %add3A_113 : vector<16xi32>
        tpu.vector_store_idx %arg5[%add3A_109], %broadcast_in_dim3A_7 {add = true} : memref<32768xi32, #tpu.memory_space<vmem>>[vector<16xi32>], vector<16xi32>,
        tpu.vector_store_idx %arg5[%add3A_114], %broadcast_in_dim3A_7 {add = true} : memref<32768xi32, #tpu.memory_space<vmem>>[vector<16xi32>], vector<16xi32>,
      }
      %scan3A_37 = arith.constant 16 : i32
      %mul3A_38 = arith.constant 33 : i32
      %mul3A_39 = vector.broadcast %mul3A_38 : i32 to vector<16xi32>
      %mul3A_40 = arith.muli %iota3A, %mul3A_39 : vector<16xi32>
      %add3A_41 = vector.broadcast %mul3A_31 : i32 to vector<16xi32>
      %add3A_42 = arith.addi %mul3A_40, %add3A_41 : vector<16xi32>
      tpu.vector_store_idx %arg5[%add3A_42], %broadcast_in_dim3A_7 {add = true} : memref<32768xi32, #tpu.memory_space<vmem>>[vector<16xi32>], vector<16xi32>,
      %add3A_43 = arith.constant 16 : i32
      %add3A_44 = vector.broadcast %add3A_43 : i32 to vector<16xi32>
      %add3A_45 = arith.addi %iota3A, %add3A_44 : vector<16xi32>
      %mul3A_46 = arith.constant 33 : i32
      %mul3A_47 = vector.broadcast %mul3A_46 : i32 to vector<16xi32>
      %mul3A_48 = arith.muli %add3A_45, %mul3A_47 : vector<16xi32>
      %add3A_49 = vector.broadcast %mul3A_31 : i32 to vector<16xi32>
      %add3A_50 = arith.addi %mul3A_48, %add3A_49 : vector<16xi32>
      tpu.vector_store_idx %arg5[%add3A_50], %broadcast_in_dim3A_7 {add = true} : memref<32768xi32, #tpu.memory_space<vmem>>[vector<16xi32>], vector<16xi32>,
    }
    %scan3A_18 = arith.constant 32 : i32
    %scan3A_19 = arith.constant 0 : i32
    %scan3A_20 = arith.constant 0 : i32
    %scan3A_21 = arith.constant 32 : i32
    %scan3A_22 = arith.addi %scan3A_20, %scan3A_21 : i32
    %scan3A_23 = arith.constant 1 : i32
    scf.for %scan3A_27 = %scan3A_20 to %scan3A_22 step %scan3A_23  : i32 {
      %mul3A_28 = arith.constant 1024 : i32
      %mul3A_29 = arith.muli %scan3A_27, %mul3A_28 : i32
      %mul3A_30 = arith.constant 512 : i32
      %mul3A_31 = arith.muli %scan3A_27, %mul3A_30 : i32
      %scan3A_32 = arith.constant 0 : i32
      %scan3A_33 = arith.constant 32 : i32
      %scan3A_34 = arith.addi %scan3A_32, %scan3A_33 : i32
      %scan3A_35 = arith.constant 4 : i32
      scf.for %scan3A_37 = %scan3A_32 to %scan3A_34 step %scan3A_35  : i32 {
        %mul3A_38 = arith.constant 16 : i32
        %mul3A_39 = arith.muli %scan3A_37, %mul3A_38 : i32
        %add3A_40 = arith.addi %mul3A_29, %mul3A_39 : i32
        %get3A = arith.index_cast %add3A_40 : i32 to index
        %get3A_41 = tpu.vector_load %arg5[%get3A] {strides = array<i32>} : memref<32768xi32, #tpu.memory_space<vmem>>, vector<16xi32>,
        %add3A_42 = arith.constant 512 : i32
        %add3A_43 = arith.addi %mul3A_29, %add3A_42 : i32
        %mul3A_44 = arith.constant 16 : i32
        %mul3A_45 = arith.muli %scan3A_37, %mul3A_44 : i32
        %add3A_46 = arith.addi %add3A_43, %mul3A_45 : i32
        %get3A_47 = arith.index_cast %add3A_46 : i32 to index
        %get3A_48 = tpu.vector_load %arg5[%get3A_47] {strides = array<i32>} : memref<32768xi32, #tpu.memory_space<vmem>>, vector<16xi32>,
        %shift_left3A = arith.constant 16 : i32
        %shift_left3A_49 = vector.broadcast %shift_left3A : i32 to vector<16xi32>
        %shift_left3A_50 = arith.shli %get3A_48, %shift_left3A_49 : vector<16xi32>
        %or3A = arith.ori %get3A_41, %shift_left3A_50 : vector<16xi32>
        %mul3A_51 = arith.constant 16 : i32
        %mul3A_52 = arith.muli %scan3A_37, %mul3A_51 : i32
        %add3A_53 = arith.addi %mul3A_31, %mul3A_52 : i32
        %swap3A = arith.index_cast %add3A_53 : i32 to index
        %swap3A_54 = tpu.vector_load %arg6[%swap3A] {strides = array<i32>} : memref<16384xi32, #tpu.memory_space<vmem>>, vector<16xi32>,
        tpu.vector_store %arg6[%swap3A], %or3A {strides = array<i32>} : memref<16384xi32, #tpu.memory_space<vmem>>, vector<16xi32>,
        %scan3A_55 = arith.constant 1 : i32
        %scan3A_56 = arith.addi %scan3A_37, %scan3A_55 : i32
        %mul3A_57 = arith.constant 16 : i32
        %mul3A_58 = arith.muli %scan3A_56, %mul3A_57 : i32
        %add3A_59 = arith.addi %mul3A_29, %mul3A_58 : i32
        %get3A_60 = arith.index_cast %add3A_59 : i32 to index
        %get3A_61 = tpu.vector_load %arg5[%get3A_60] {strides = array<i32>} : memref<32768xi32, #tpu.memory_space<vmem>>, vector<16xi32>,
        %add3A_62 = arith.constant 512 : i32
        %add3A_63 = arith.addi %mul3A_29, %add3A_62 : i32
        %mul3A_64 = arith.constant 16 : i32
        %mul3A_65 = arith.muli %scan3A_56, %mul3A_64 : i32
        %add3A_66 = arith.addi %add3A_63, %mul3A_65 : i32
        %get3A_67 = arith.index_cast %add3A_66 : i32 to index
        %get3A_68 = tpu.vector_load %arg5[%get3A_67] {strides = array<i32>} : memref<32768xi32, #tpu.memory_space<vmem>>, vector<16xi32>,
        %shift_left3A_69 = arith.constant 16 : i32
        %shift_left3A_70 = vector.broadcast %shift_left3A_69 : i32 to vector<16xi32>
        %shift_left3A_71 = arith.shli %get3A_68, %shift_left3A_70 : vector<16xi32>
        %or3A_72 = arith.ori %get3A_61, %shift_left3A_71 : vector<16xi32>
        %mul3A_73 = arith.constant 16 : i32
        %mul3A_74 = arith.muli %scan3A_56, %mul3A_73 : i32
        %add3A_75 = arith.addi %mul3A_31, %mul3A_74 : i32
        %swap3A_76 = arith.index_cast %add3A_75 : i32 to index
        %swap3A_77 = tpu.vector_load %arg6[%swap3A_76] {strides = array<i32>} : memref<16384xi32, #tpu.memory_space<vmem>>, vector<16xi32>,
        tpu.vector_store %arg6[%swap3A_76], %or3A_72 {strides = array<i32>} : memref<16384xi32, #tpu.memory_space<vmem>>, vector<16xi32>,
        %scan3A_78 = arith.constant 2 : i32
        %scan3A_79 = arith.addi %scan3A_37, %scan3A_78 : i32
        %mul3A_80 = arith.constant 16 : i32
        %mul3A_81 = arith.muli %scan3A_79, %mul3A_80 : i32
        %add3A_82 = arith.addi %mul3A_29, %mul3A_81 : i32
        %get3A_83 = arith.index_cast %add3A_82 : i32 to index
        %get3A_84 = tpu.vector_load %arg5[%get3A_83] {strides = array<i32>} : memref<32768xi32, #tpu.memory_space<vmem>>, vector<16xi32>,
        %add3A_85 = arith.constant 512 : i32
        %add3A_86 = arith.addi %mul3A_29, %add3A_85 : i32
        %mul3A_87 = arith.constant 16 : i32
        %mul3A_88 = arith.muli %scan3A_79, %mul3A_87 : i32
        %add3A_89 = arith.addi %add3A_86, %mul3A_88 : i32
        %get3A_90 = arith.index_cast %add3A_89 : i32 to index
        %get3A_91 = tpu.vector_load %arg5[%get3A_90] {strides = array<i32>} : memref<32768xi32, #tpu.memory_space<vmem>>, vector<16xi32>,
        %shift_left3A_92 = arith.constant 16 : i32
        %shift_left3A_93 = vector.broadcast %shift_left3A_92 : i32 to vector<16xi32>
        %shift_left3A_94 = arith.shli %get3A_91, %shift_left3A_93 : vector<16xi32>
        %or3A_95 = arith.ori %get3A_84, %shift_left3A_94 : vector<16xi32>
        %mul3A_96 = arith.constant 16 : i32
        %mul3A_97 = arith.muli %scan3A_79, %mul3A_96 : i32
        %add3A_98 = arith.addi %mul3A_31, %mul3A_97 : i32
        %swap3A_99 = arith.index_cast %add3A_98 : i32 to index
        %swap3A_100 = tpu.vector_load %arg6[%swap3A_99] {strides = array<i32>} : memref<16384xi32, #tpu.memory_space<vmem>>, vector<16xi32>,
        tpu.vector_store %arg6[%swap3A_99], %or3A_95 {strides = array<i32>} : memref<16384xi32, #tpu.memory_space<vmem>>, vector<16xi32>,
        %scan3A_101 = arith.constant 3 : i32
        %scan3A_102 = arith.addi %scan3A_37, %scan3A_101 : i32
        %mul3A_103 = arith.constant 16 : i32
        %mul3A_104 = arith.muli %scan3A_102, %mul3A_103 : i32
        %add3A_105 = arith.addi %mul3A_29, %mul3A_104 : i32
        %get3A_106 = arith.index_cast %add3A_105 : i32 to index
        %get3A_107 = tpu.vector_load %arg5[%get3A_106] {strides = array<i32>} : memref<32768xi32, #tpu.memory_space<vmem>>, vector<16xi32>,
        %add3A_108 = arith.constant 512 : i32
        %add3A_109 = arith.addi %mul3A_29, %add3A_108 : i32
        %mul3A_110 = arith.constant 16 : i32
        %mul3A_111 = arith.muli %scan3A_102, %mul3A_110 : i32
        %add3A_112 = arith.addi %add3A_109, %mul3A_111 : i32
        %get3A_113 = arith.index_cast %add3A_112 : i32 to index
        %get3A_114 = tpu.vector_load %arg5[%get3A_113] {strides = array<i32>} : memref<32768xi32, #tpu.memory_space<vmem>>, vector<16xi32>,
        %shift_left3A_115 = arith.constant 16 : i32
        %shift_left3A_116 = vector.broadcast %shift_left3A_115 : i32 to vector<16xi32>
        %shift_left3A_117 = arith.shli %get3A_114, %shift_left3A_116 : vector<16xi32>
        %or3A_118 = arith.ori %get3A_107, %shift_left3A_117 : vector<16xi32>
        %mul3A_119 = arith.constant 16 : i32
        %mul3A_120 = arith.muli %scan3A_102, %mul3A_119 : i32
        %add3A_121 = arith.addi %mul3A_31, %mul3A_120 : i32
        %swap3A_122 = arith.index_cast %add3A_121 : i32 to index
        %swap3A_123 = tpu.vector_load %arg6[%swap3A_122] {strides = array<i32>} : memref<16384xi32, #tpu.memory_space<vmem>>, vector<16xi32>,
        tpu.vector_store %arg6[%swap3A_122], %or3A_118 {strides = array<i32>} : memref<16384xi32, #tpu.memory_space<vmem>>, vector<16xi32>,
      }
      %scan3A_36 = arith.constant 32 : i32
    }
    %scan3A_24 = arith.constant 32 : i32
    %mul3A_25 = arith.constant 512 : i32
    %mul3A_26 = arith.muli %mul3A_2, %mul3A_25 : i32
    "tpu.region"() ({
      %run_scoped3A = tpu.sem_alloc : memref<!tpu.dma_semaphore, #tpu.memory_space<semaphore_mem>>
      %dma_start3A = tpu.memref_slice %arg3[%mul3A_26] : memref<524288xi32, #tpu.memory_space<hbm>> -> memref<16384xi32, #tpu.memory_space<hbm>>
      %dma_start3A_27 = tpu.memref_slice %arg3[%mul3A_26] : memref<524288xi32, #tpu.memory_space<hbm>> -> memref<16384xi32, #tpu.memory_space<hbm>>
      tpu.enqueue_dma source(%arg6 : memref<16384xi32, #tpu.memory_space<vmem>>) target(%dma_start3A_27 : memref<16384xi32, #tpu.memory_space<hbm>>) target_semaphore(%run_scoped3A : memref<!tpu.dma_semaphore, #tpu.memory_space<semaphore_mem>>)
      %dma_wait3A = tpu.memref_slice %arg3[%mul3A_26] : memref<524288xi32, #tpu.memory_space<hbm>> -> memref<16384xi32, #tpu.memory_space<hbm>>
      %dma_wait3A_28 = tpu.memref_slice %arg3[%mul3A_26] : memref<524288xi32, #tpu.memory_space<hbm>> -> memref<16384xi32, #tpu.memory_space<hbm>>
      tpu.wait_dma2 semaphore(%run_scoped3A : memref<!tpu.dma_semaphore, #tpu.memory_space<semaphore_mem>>) src(%arg6 : memref<16384xi32, #tpu.memory_space<vmem>>) dst(%dma_wait3A_28 : memref<16384xi32, #tpu.memory_space<hbm>>)
      tpu.yield
    }) : () -> ()
    return
  }
}

module attributes {stable_mosaic.version = 14 : i64} {
  func.func @body(%arg0: i32, %arg1: memref<256x2x512xi32, #tpu.memory_space<vmem>>, %arg2: memref<256x256xi32, #tpu.memory_space<vmem>>) attributes {dimension_semantics = [#tpu.dimension_semantics<arbitrary>], iteration_bounds = array<i64: 4>, scalar_prefetch = 0 : i64, scratch_operands = 0 : i64, tpu.core_type = #tpu.core_type<tc>, window_params = [{transform_indices = @transform_0, window_bounds = array<i64: 256, 2, 512>}, {transform_indices = @transform_1, window_bounds = array<i64: 256, 256>}]} {
    %get3A = arith.constant 0 : index
    %get3A_0 = arith.constant 0 : index
    %get3A_1 = arith.constant 0 : index
    %get3A_2 = vector.load %arg1[%get3A, %get3A_0, %get3A_1] : memref<256x2x512xi32, #tpu.memory_space<vmem>>, vector<256x1x512xi32>
    %get3A_3 = vector.shape_cast %get3A_2 : vector<256x1x512xi32> to vector<256x512xi32>
    %get3A_4 = arith.constant 0 : index
    %get3A_5 = arith.constant 1 : index
    %get3A_6 = arith.constant 0 : index
    %get3A_7 = vector.load %arg1[%get3A_4, %get3A_5, %get3A_6] : memref<256x2x512xi32, #tpu.memory_space<vmem>>, vector<256x1x512xi32>
    %get3A_8 = vector.shape_cast %get3A_7 : vector<256x1x512xi32> to vector<256x512xi32>
    %mul3A = arith.constant 32 : i32
    %mul3A_9 = vector.broadcast %mul3A : i32 to vector<256x512xi32>
    %mul3A_10 = arith.muli %get3A_8, %mul3A_9 : vector<256x512xi32>
    %add3A = arith.addi %mul3A_10, %get3A_3 : vector<256x512xi32>
    %slice3A = vector.extract_strided_slice %add3A {offsets = [0, 0], sizes = [256, 256], strides = [1, 1]} : vector<256x512xi32> to vector<256x256xi32>
    %slice3A_11 = vector.extract_strided_slice %add3A {offsets = [0, 256], sizes = [256, 256], strides = [1, 1]} : vector<256x512xi32> to vector<256x256xi32>
    %shift_left3A = arith.constant 16 : i32
    %shift_left3A_12 = vector.broadcast %shift_left3A : i32 to vector<256x256xi32>
    %shift_left3A_13 = arith.shli %slice3A_11, %shift_left3A_12 : vector<256x256xi32>
    %or3A = arith.ori %slice3A, %shift_left3A_13 : vector<256x256xi32>
    %swap3A = arith.constant 0 : index
    %swap3A_14 = arith.constant 0 : index
    %swap3A_15 = vector.load %arg2[%swap3A, %swap3A_14] : memref<256x256xi32, #tpu.memory_space<vmem>>, vector<256x256xi32>
    tpu.vector_store %arg2[%swap3A, %swap3A_14], %or3A {strides = array<i32>} : memref<256x256xi32, #tpu.memory_space<vmem>>, vector<256x256xi32>,
    return
  }
  func.func @transform_0(%arg0: i32) -> (i32, i32, i32) {
    %c0_i32 = arith.constant 0 : i32
    %c0_i32_0 = arith.constant 0 : i32
    %c0_i32_1 = arith.constant 0 : i32
    return %arg0, %c0_i32, %c0_i32_0 : i32, i32, i32
  }
  func.func @transform_1(%arg0: i32) -> (i32, i32) {
    %c0_i32 = arith.constant 0 : i32
    %c0_i32_0 = arith.constant 0 : i32
    return %arg0, %c0_i32 : i32, i32
  }
}

module attributes {stable_mosaic.version = 14 : i64} {
  func.func @body(%arg0: i32, %arg1: memref<4096x128xf32, #tpu.memory_space<vmem>>, %arg2: memref<128x512xi32, #tpu.memory_space<vmem>>, %arg3: memref<128x64xf32, #tpu.memory_space<vmem>>, %arg4: memref<1x64xf32, #tpu.memory_space<vmem>>, %arg5: memref<64x64xf32, #tpu.memory_space<vmem>>, %arg6: memref<64x64xf32, #tpu.memory_space<vmem>>, %arg7: memref<64x64xf32, #tpu.memory_space<vmem>>, %arg8: memref<1x64xf32, #tpu.memory_space<vmem>>, %arg9: memref<1x64xf32, #tpu.memory_space<vmem>>, %arg10: memref<1x64xf32, #tpu.memory_space<vmem>>, %arg11: memref<1x64xf32, #tpu.memory_space<vmem>>, %arg12: memref<1x2048xf32, #tpu.memory_space<vmem>>, %arg13: memref<1x1xf32, #tpu.memory_space<vmem>>, %arg14: memref<1x128xf32, #tpu.memory_space<vmem>>, %arg15: memref<2048x128xf32, #tpu.memory_space<vmem>>) attributes {dimension_semantics = [#tpu.dimension_semantics<arbitrary>], iteration_bounds = array<i64: 8>, scalar_prefetch = 0 : i64, scratch_operands = 0 : i64, tpu.core_type = #tpu.core_type<tc>, window_params = [{transform_indices = @transform_0, window_bounds = array<i64: 4096, 128>}, {transform_indices = @transform_1, window_bounds = array<i64: 128, 512>}, {pipeline_mode = #tpu.pipeline_mode<synchronous>, transform_indices = @transform_2, window_bounds = array<i64: 128, 64>}, {pipeline_mode = #tpu.pipeline_mode<synchronous>, transform_indices = @transform_3, window_bounds = array<i64: 1, 64>}, {pipeline_mode = #tpu.pipeline_mode<synchronous>, transform_indices = @transform_4, window_bounds = array<i64: 64, 64>}, {pipeline_mode = #tpu.pipeline_mode<synchronous>, transform_indices = @transform_5, window_bounds = array<i64: 64, 64>}, {pipeline_mode = #tpu.pipeline_mode<synchronous>, transform_indices = @transform_6, window_bounds = array<i64: 64, 64>}, {pipeline_mode = #tpu.pipeline_mode<synchronous>, transform_indices = @transform_7, window_bounds = array<i64: 1, 64>}, {pipeline_mode = #tpu.pipeline_mode<synchronous>, transform_indices = @transform_8, window_bounds = array<i64: 1, 64>}, {pipeline_mode = #tpu.pipeline_mode<synchronous>, transform_indices = @transform_9, window_bounds = array<i64: 1, 64>}, {pipeline_mode = #tpu.pipeline_mode<synchronous>, transform_indices = @transform_10, window_bounds = array<i64: 1, 64>}, {pipeline_mode = #tpu.pipeline_mode<synchronous>, transform_indices = @transform_11, window_bounds = array<i64: 1, 2048>}, {pipeline_mode = #tpu.pipeline_mode<synchronous>, transform_indices = @transform_12, window_bounds = array<i64: 1, 1>}, {transform_indices = @transform_13, window_bounds = array<i64: 1, 128>}, {transform_indices = @transform_14, window_bounds = array<i64: 2048, 128>}]} {
    %get3A = arith.constant 0 : index
    %get3A_0 = arith.constant 0 : index
    %get3A_1 = vector.load %arg1[%get3A, %get3A_0] : memref<4096x128xf32, #tpu.memory_space<vmem>>, vector<4096x128xf32>
    %get3A_2 = arith.constant 0 : index
    %get3A_3 = arith.constant 0 : index
    %get3A_4 = vector.load %arg3[%get3A_2, %get3A_3] : memref<128x64xf32, #tpu.memory_space<vmem>>, vector<128x64xf32>
    %dot_general3A = arith.constant dense<0.000000e+00> : vector<4096x64xf32>
    %dot_general3A_5 = tpu.matmul %get3A_1, %get3A_4, %dot_general3A {dimension_numbers = #tpu.dot_dimension_numbers<[1], [0], [0], [1], [0, 0, 1, 1], [], []>, transpose_lhs_hint = false} : vector<4096x128xf32>, vector<128x64xf32>, vector<4096x64xf32> -> vector<4096x64xf32>
    %get3A_6 = arith.constant 0 : index
    %get3A_7 = arith.constant 0 : index
    %get3A_8 = vector.load %arg4[%get3A_6, %get3A_7] : memref<1x64xf32, #tpu.memory_space<vmem>>, vector<1x64xf32>
    %add3A = vector.broadcast %get3A_8 : vector<1x64xf32> to vector<4096x64xf32>
    %add3A_9 = arith.addf %dot_general3A_5, %add3A : vector<4096x64xf32>
    %get3A_10 = arith.constant 0 : index
    %get3A_11 = arith.constant 0 : index
    %get3A_12 = vector.load %arg2[%get3A_10, %get3A_11] : memref<128x512xi32, #tpu.memory_space<vmem>>, vector<128x512xi32>
    %and3A = arith.constant 65535 : i32
    %and3A_13 = vector.broadcast %and3A : i32 to vector<128x512xi32>
    %and3A_14 = arith.andi %get3A_12, %and3A_13 : vector<128x512xi32>
    %convert_element_type3A = arith.sitofp %and3A_14 : vector<128x512xi32> to vector<128x512xf32>
    %shift_right_logical3A = arith.constant 16 : i32
    %shift_right_logical3A_15 = vector.broadcast %shift_right_logical3A : i32 to vector<128x512xi32>
    %shift_right_logical3A_16 = arith.shrui %get3A_12, %shift_right_logical3A_15 : vector<128x512xi32>
    %convert_element_type3A_17 = arith.sitofp %shift_right_logical3A_16 : vector<128x512xi32> to vector<128x512xf32>
    %concatenate3A = tpu.concatenate %convert_element_type3A, %convert_element_type3A_17 in 1 : vector<128x512xf32>, vector<128x512xf32> -> vector<128x1024xf32>
    %reshape3A = vector.shape_cast %concatenate3A : vector<128x1024xf32> to vector<128x32x32xf32>
    %reduce_sum3A = arith.constant dense<0.000000e+00> : vector<128x32xf32>
    %reduce_sum3A_18 = vector.multi_reduction <add>, %reshape3A, %reduce_sum3A [2] : vector<128x32x32xf32> to vector<128x32xf32>
    %rsqrt3A = math.rsqrt %reduce_sum3A_18 : vector<128x32xf32>
    %reshape3A_19 = vector.shape_cast %add3A_9 : vector<4096x64xf32> to vector<128x32x64xf32>
    %broadcast_in_dim3A = vector.shape_cast %rsqrt3A : vector<128x32xf32> to vector<128x32x1xf32>
    %mul3A = vector.broadcast %broadcast_in_dim3A : vector<128x32x1xf32> to vector<128x32x64xf32>
    %mul3A_20 = arith.mulf %reshape3A_19, %mul3A : vector<128x32x64xf32>
    %dot_general3A_21 = arith.constant dense<0.000000e+00> : vector<128x32x64xf32>
    %dot_general3A_22 = tpu.matmul %reshape3A, %mul3A_20, %dot_general3A_21 {dimension_numbers = #tpu.dot_dimension_numbers<[2], [1], [1], [2], [0, 0, 0, 1, 1, 2], [0], [0]>, transpose_lhs_hint = false} : vector<128x32x32xf32>, vector<128x32x64xf32>, vector<128x32x64xf32> -> vector<128x32x64xf32>
    %broadcast_in_dim3A_23 = vector.shape_cast %rsqrt3A : vector<128x32xf32> to vector<128x32x1xf32>
    %mul3A_24 = vector.broadcast %broadcast_in_dim3A_23 : vector<128x32x1xf32> to vector<128x32x64xf32>
    %mul3A_25 = arith.mulf %dot_general3A_22, %mul3A_24 : vector<128x32x64xf32>
    %reshape3A_26 = vector.shape_cast %mul3A_25 : vector<128x32x64xf32> to vector<4096x64xf32>
    %get3A_27 = arith.constant 0 : index
    %get3A_28 = arith.constant 0 : index
    %get3A_29 = vector.load %arg5[%get3A_27, %get3A_28] : memref<64x64xf32, #tpu.memory_space<vmem>>, vector<64x64xf32>
    %dot_general3A_30 = arith.constant dense<0.000000e+00> : vector<4096x64xf32>
    %dot_general3A_31 = tpu.matmul %reshape3A_26, %get3A_29, %dot_general3A_30 {dimension_numbers = #tpu.dot_dimension_numbers<[1], [0], [0], [1], [0, 0, 1, 1], [], []>, transpose_lhs_hint = false} : vector<4096x64xf32>, vector<64x64xf32>, vector<4096x64xf32> -> vector<4096x64xf32>
    %get3A_32 = arith.constant 0 : index
    %get3A_33 = arith.constant 0 : index
    %get3A_34 = vector.load %arg8[%get3A_32, %get3A_33] : memref<1x64xf32, #tpu.memory_space<vmem>>, vector<1x64xf32>
    %add3A_35 = vector.broadcast %get3A_34 : vector<1x64xf32> to vector<4096x64xf32>
    %add3A_36 = arith.addf %dot_general3A_31, %add3A_35 : vector<4096x64xf32>
    %logistic3A = arith.negf %add3A_36 : vector<4096x64xf32>
    %logistic3A_37 = math.exp %logistic3A : vector<4096x64xf32>
    %logistic3A_38 = arith.constant 1.000000e+00 : f32
    %logistic3A_39 = vector.broadcast %logistic3A_38 : f32 to vector<4096x64xf32>
    %logistic3A_40 = arith.addf %logistic3A_39, %logistic3A_37 : vector<4096x64xf32>
    %logistic3A_41 = arith.divf %logistic3A_39, %logistic3A_40 : vector<4096x64xf32>
    %get3A_42 = arith.constant 0 : index
    %get3A_43 = arith.constant 0 : index
    %get3A_44 = vector.load %arg6[%get3A_42, %get3A_43] : memref<64x64xf32, #tpu.memory_space<vmem>>, vector<64x64xf32>
    %dot_general3A_45 = arith.constant dense<0.000000e+00> : vector<4096x64xf32>
    %dot_general3A_46 = tpu.matmul %reshape3A_26, %get3A_44, %dot_general3A_45 {dimension_numbers = #tpu.dot_dimension_numbers<[1], [0], [0], [1], [0, 0, 1, 1], [], []>, transpose_lhs_hint = false} : vector<4096x64xf32>, vector<64x64xf32>, vector<4096x64xf32> -> vector<4096x64xf32>
    %get3A_47 = arith.constant 0 : index
    %get3A_48 = arith.constant 0 : index
    %get3A_49 = vector.load %arg9[%get3A_47, %get3A_48] : memref<1x64xf32, #tpu.memory_space<vmem>>, vector<1x64xf32>
    %add3A_50 = vector.broadcast %get3A_49 : vector<1x64xf32> to vector<4096x64xf32>
    %add3A_51 = arith.addf %dot_general3A_46, %add3A_50 : vector<4096x64xf32>
    %logistic3A_52 = arith.negf %add3A_51 : vector<4096x64xf32>
    %logistic3A_53 = math.exp %logistic3A_52 : vector<4096x64xf32>
    %logistic3A_54 = arith.constant 1.000000e+00 : f32
    %logistic3A_55 = vector.broadcast %logistic3A_54 : f32 to vector<4096x64xf32>
    %logistic3A_56 = arith.addf %logistic3A_55, %logistic3A_53 : vector<4096x64xf32>
    %logistic3A_57 = arith.divf %logistic3A_55, %logistic3A_56 : vector<4096x64xf32>
    %get3A_58 = arith.constant 0 : index
    %get3A_59 = arith.constant 0 : index
    %get3A_60 = vector.load %arg7[%get3A_58, %get3A_59] : memref<64x64xf32, #tpu.memory_space<vmem>>, vector<64x64xf32>
    %dot_general3A_61 = arith.constant dense<0.000000e+00> : vector<4096x64xf32>
    %dot_general3A_62 = tpu.matmul %reshape3A_26, %get3A_60, %dot_general3A_61 {dimension_numbers = #tpu.dot_dimension_numbers<[1], [0], [0], [1], [0, 0, 1, 1], [], []>, transpose_lhs_hint = false} : vector<4096x64xf32>, vector<64x64xf32>, vector<4096x64xf32> -> vector<4096x64xf32>
    %get3A_63 = arith.constant 0 : index
    %get3A_64 = arith.constant 0 : index
    %get3A_65 = vector.load %arg10[%get3A_63, %get3A_64] : memref<1x64xf32, #tpu.memory_space<vmem>>, vector<1x64xf32>
    %add3A_66 = vector.broadcast %get3A_65 : vector<1x64xf32> to vector<4096x64xf32>
    %add3A_67 = arith.addf %dot_general3A_62, %add3A_66 : vector<4096x64xf32>
    %get3A_68 = arith.constant 0 : index
    %get3A_69 = arith.constant 0 : index
    %get3A_70 = vector.load %arg11[%get3A_68, %get3A_69] : memref<1x64xf32, #tpu.memory_space<vmem>>, vector<1x64xf32>
    %mul3A_71 = vector.broadcast %get3A_70 : vector<1x64xf32> to vector<4096x64xf32>
    %mul3A_72 = arith.mulf %logistic3A_41, %mul3A_71 : vector<4096x64xf32>
    %add3A_73 = arith.addf %add3A_67, %mul3A_72 : vector<4096x64xf32>
    %tanh3A = math.tanh %add3A_73 : vector<4096x64xf32>
    %sub3A = arith.constant 1.000000e+00 : f32
    %sub3A_74 = vector.broadcast %sub3A : f32 to vector<4096x64xf32>
    %sub3A_75 = arith.subf %sub3A_74, %logistic3A_57 : vector<4096x64xf32>
    %mul3A_76 = arith.mulf %sub3A_75, %tanh3A : vector<4096x64xf32>
    %reshape3A_77 = vector.shape_cast %mul3A_76 : vector<4096x64xf32> to vector<128x32x64xf32>
    %slice3A = vector.extract_strided_slice %reshape3A_77 {offsets = [0, 0, 0], sizes = [128, 1, 64], strides = [1, 1, 1]} : vector<128x32x64xf32> to vector<128x1x64xf32>
    %squeeze3A = vector.shape_cast %slice3A : vector<128x1x64xf32> to vector<128x64xf32>
    %transpose3A = tpu.transpose %squeeze3A, [1, 0] : vector<128x64xf32> -> vector<64x128xf32>
    %slice3A_78 = vector.extract_strided_slice %reshape3A_77 {offsets = [0, 1, 0], sizes = [128, 1, 64], strides = [1, 1, 1]} : vector<128x32x64xf32> to vector<128x1x64xf32>
    %squeeze3A_79 = vector.shape_cast %slice3A_78 : vector<128x1x64xf32> to vector<128x64xf32>
    %transpose3A_80 = tpu.transpose %squeeze3A_79, [1, 0] : vector<128x64xf32> -> vector<64x128xf32>
    %slice3A_81 = vector.extract_strided_slice %reshape3A_77 {offsets = [0, 2, 0], sizes = [128, 1, 64], strides = [1, 1, 1]} : vector<128x32x64xf32> to vector<128x1x64xf32>
    %squeeze3A_82 = vector.shape_cast %slice3A_81 : vector<128x1x64xf32> to vector<128x64xf32>
    %transpose3A_83 = tpu.transpose %squeeze3A_82, [1, 0] : vector<128x64xf32> -> vector<64x128xf32>
    %slice3A_84 = vector.extract_strided_slice %reshape3A_77 {offsets = [0, 3, 0], sizes = [128, 1, 64], strides = [1, 1, 1]} : vector<128x32x64xf32> to vector<128x1x64xf32>
    %squeeze3A_85 = vector.shape_cast %slice3A_84 : vector<128x1x64xf32> to vector<128x64xf32>
    %transpose3A_86 = tpu.transpose %squeeze3A_85, [1, 0] : vector<128x64xf32> -> vector<64x128xf32>
    %slice3A_87 = vector.extract_strided_slice %reshape3A_77 {offsets = [0, 4, 0], sizes = [128, 1, 64], strides = [1, 1, 1]} : vector<128x32x64xf32> to vector<128x1x64xf32>
    %squeeze3A_88 = vector.shape_cast %slice3A_87 : vector<128x1x64xf32> to vector<128x64xf32>
    %transpose3A_89 = tpu.transpose %squeeze3A_88, [1, 0] : vector<128x64xf32> -> vector<64x128xf32>
    %slice3A_90 = vector.extract_strided_slice %reshape3A_77 {offsets = [0, 5, 0], sizes = [128, 1, 64], strides = [1, 1, 1]} : vector<128x32x64xf32> to vector<128x1x64xf32>
    %squeeze3A_91 = vector.shape_cast %slice3A_90 : vector<128x1x64xf32> to vector<128x64xf32>
    %transpose3A_92 = tpu.transpose %squeeze3A_91, [1, 0] : vector<128x64xf32> -> vector<64x128xf32>
    %slice3A_93 = vector.extract_strided_slice %reshape3A_77 {offsets = [0, 6, 0], sizes = [128, 1, 64], strides = [1, 1, 1]} : vector<128x32x64xf32> to vector<128x1x64xf32>
    %squeeze3A_94 = vector.shape_cast %slice3A_93 : vector<128x1x64xf32> to vector<128x64xf32>
    %transpose3A_95 = tpu.transpose %squeeze3A_94, [1, 0] : vector<128x64xf32> -> vector<64x128xf32>
    %slice3A_96 = vector.extract_strided_slice %reshape3A_77 {offsets = [0, 7, 0], sizes = [128, 1, 64], strides = [1, 1, 1]} : vector<128x32x64xf32> to vector<128x1x64xf32>
    %squeeze3A_97 = vector.shape_cast %slice3A_96 : vector<128x1x64xf32> to vector<128x64xf32>
    %transpose3A_98 = tpu.transpose %squeeze3A_97, [1, 0] : vector<128x64xf32> -> vector<64x128xf32>
    %slice3A_99 = vector.extract_strided_slice %reshape3A_77 {offsets = [0, 8, 0], sizes = [128, 1, 64], strides = [1, 1, 1]} : vector<128x32x64xf32> to vector<128x1x64xf32>
    %squeeze3A_100 = vector.shape_cast %slice3A_99 : vector<128x1x64xf32> to vector<128x64xf32>
    %transpose3A_101 = tpu.transpose %squeeze3A_100, [1, 0] : vector<128x64xf32> -> vector<64x128xf32>
    %slice3A_102 = vector.extract_strided_slice %reshape3A_77 {offsets = [0, 9, 0], sizes = [128, 1, 64], strides = [1, 1, 1]} : vector<128x32x64xf32> to vector<128x1x64xf32>
    %squeeze3A_103 = vector.shape_cast %slice3A_102 : vector<128x1x64xf32> to vector<128x64xf32>
    %transpose3A_104 = tpu.transpose %squeeze3A_103, [1, 0] : vector<128x64xf32> -> vector<64x128xf32>
    %slice3A_105 = vector.extract_strided_slice %reshape3A_77 {offsets = [0, 10, 0], sizes = [128, 1, 64], strides = [1, 1, 1]} : vector<128x32x64xf32> to vector<128x1x64xf32>
    %squeeze3A_106 = vector.shape_cast %slice3A_105 : vector<128x1x64xf32> to vector<128x64xf32>
    %transpose3A_107 = tpu.transpose %squeeze3A_106, [1, 0] : vector<128x64xf32> -> vector<64x128xf32>
    %slice3A_108 = vector.extract_strided_slice %reshape3A_77 {offsets = [0, 11, 0], sizes = [128, 1, 64], strides = [1, 1, 1]} : vector<128x32x64xf32> to vector<128x1x64xf32>
    %squeeze3A_109 = vector.shape_cast %slice3A_108 : vector<128x1x64xf32> to vector<128x64xf32>
    %transpose3A_110 = tpu.transpose %squeeze3A_109, [1, 0] : vector<128x64xf32> -> vector<64x128xf32>
    %slice3A_111 = vector.extract_strided_slice %reshape3A_77 {offsets = [0, 12, 0], sizes = [128, 1, 64], strides = [1, 1, 1]} : vector<128x32x64xf32> to vector<128x1x64xf32>
    %squeeze3A_112 = vector.shape_cast %slice3A_111 : vector<128x1x64xf32> to vector<128x64xf32>
    %transpose3A_113 = tpu.transpose %squeeze3A_112, [1, 0] : vector<128x64xf32> -> vector<64x128xf32>
    %slice3A_114 = vector.extract_strided_slice %reshape3A_77 {offsets = [0, 13, 0], sizes = [128, 1, 64], strides = [1, 1, 1]} : vector<128x32x64xf32> to vector<128x1x64xf32>
    %squeeze3A_115 = vector.shape_cast %slice3A_114 : vector<128x1x64xf32> to vector<128x64xf32>
    %transpose3A_116 = tpu.transpose %squeeze3A_115, [1, 0] : vector<128x64xf32> -> vector<64x128xf32>
    %slice3A_117 = vector.extract_strided_slice %reshape3A_77 {offsets = [0, 14, 0], sizes = [128, 1, 64], strides = [1, 1, 1]} : vector<128x32x64xf32> to vector<128x1x64xf32>
    %squeeze3A_118 = vector.shape_cast %slice3A_117 : vector<128x1x64xf32> to vector<128x64xf32>
    %transpose3A_119 = tpu.transpose %squeeze3A_118, [1, 0] : vector<128x64xf32> -> vector<64x128xf32>
    %slice3A_120 = vector.extract_strided_slice %reshape3A_77 {offsets = [0, 15, 0], sizes = [128, 1, 64], strides = [1, 1, 1]} : vector<128x32x64xf32> to vector<128x1x64xf32>
    %squeeze3A_121 = vector.shape_cast %slice3A_120 : vector<128x1x64xf32> to vector<128x64xf32>
    %transpose3A_122 = tpu.transpose %squeeze3A_121, [1, 0] : vector<128x64xf32> -> vector<64x128xf32>
    %slice3A_123 = vector.extract_strided_slice %reshape3A_77 {offsets = [0, 16, 0], sizes = [128, 1, 64], strides = [1, 1, 1]} : vector<128x32x64xf32> to vector<128x1x64xf32>
    %squeeze3A_124 = vector.shape_cast %slice3A_123 : vector<128x1x64xf32> to vector<128x64xf32>
    %transpose3A_125 = tpu.transpose %squeeze3A_124, [1, 0] : vector<128x64xf32> -> vector<64x128xf32>
    %slice3A_126 = vector.extract_strided_slice %reshape3A_77 {offsets = [0, 17, 0], sizes = [128, 1, 64], strides = [1, 1, 1]} : vector<128x32x64xf32> to vector<128x1x64xf32>
    %squeeze3A_127 = vector.shape_cast %slice3A_126 : vector<128x1x64xf32> to vector<128x64xf32>
    %transpose3A_128 = tpu.transpose %squeeze3A_127, [1, 0] : vector<128x64xf32> -> vector<64x128xf32>
    %slice3A_129 = vector.extract_strided_slice %reshape3A_77 {offsets = [0, 18, 0], sizes = [128, 1, 64], strides = [1, 1, 1]} : vector<128x32x64xf32> to vector<128x1x64xf32>
    %squeeze3A_130 = vector.shape_cast %slice3A_129 : vector<128x1x64xf32> to vector<128x64xf32>
    %transpose3A_131 = tpu.transpose %squeeze3A_130, [1, 0] : vector<128x64xf32> -> vector<64x128xf32>
    %slice3A_132 = vector.extract_strided_slice %reshape3A_77 {offsets = [0, 19, 0], sizes = [128, 1, 64], strides = [1, 1, 1]} : vector<128x32x64xf32> to vector<128x1x64xf32>
    %squeeze3A_133 = vector.shape_cast %slice3A_132 : vector<128x1x64xf32> to vector<128x64xf32>
    %transpose3A_134 = tpu.transpose %squeeze3A_133, [1, 0] : vector<128x64xf32> -> vector<64x128xf32>
    %slice3A_135 = vector.extract_strided_slice %reshape3A_77 {offsets = [0, 20, 0], sizes = [128, 1, 64], strides = [1, 1, 1]} : vector<128x32x64xf32> to vector<128x1x64xf32>
    %squeeze3A_136 = vector.shape_cast %slice3A_135 : vector<128x1x64xf32> to vector<128x64xf32>
    %transpose3A_137 = tpu.transpose %squeeze3A_136, [1, 0] : vector<128x64xf32> -> vector<64x128xf32>
    %slice3A_138 = vector.extract_strided_slice %reshape3A_77 {offsets = [0, 21, 0], sizes = [128, 1, 64], strides = [1, 1, 1]} : vector<128x32x64xf32> to vector<128x1x64xf32>
    %squeeze3A_139 = vector.shape_cast %slice3A_138 : vector<128x1x64xf32> to vector<128x64xf32>
    %transpose3A_140 = tpu.transpose %squeeze3A_139, [1, 0] : vector<128x64xf32> -> vector<64x128xf32>
    %slice3A_141 = vector.extract_strided_slice %reshape3A_77 {offsets = [0, 22, 0], sizes = [128, 1, 64], strides = [1, 1, 1]} : vector<128x32x64xf32> to vector<128x1x64xf32>
    %squeeze3A_142 = vector.shape_cast %slice3A_141 : vector<128x1x64xf32> to vector<128x64xf32>
    %transpose3A_143 = tpu.transpose %squeeze3A_142, [1, 0] : vector<128x64xf32> -> vector<64x128xf32>
    %slice3A_144 = vector.extract_strided_slice %reshape3A_77 {offsets = [0, 23, 0], sizes = [128, 1, 64], strides = [1, 1, 1]} : vector<128x32x64xf32> to vector<128x1x64xf32>
    %squeeze3A_145 = vector.shape_cast %slice3A_144 : vector<128x1x64xf32> to vector<128x64xf32>
    %transpose3A_146 = tpu.transpose %squeeze3A_145, [1, 0] : vector<128x64xf32> -> vector<64x128xf32>
    %slice3A_147 = vector.extract_strided_slice %reshape3A_77 {offsets = [0, 24, 0], sizes = [128, 1, 64], strides = [1, 1, 1]} : vector<128x32x64xf32> to vector<128x1x64xf32>
    %squeeze3A_148 = vector.shape_cast %slice3A_147 : vector<128x1x64xf32> to vector<128x64xf32>
    %transpose3A_149 = tpu.transpose %squeeze3A_148, [1, 0] : vector<128x64xf32> -> vector<64x128xf32>
    %slice3A_150 = vector.extract_strided_slice %reshape3A_77 {offsets = [0, 25, 0], sizes = [128, 1, 64], strides = [1, 1, 1]} : vector<128x32x64xf32> to vector<128x1x64xf32>
    %squeeze3A_151 = vector.shape_cast %slice3A_150 : vector<128x1x64xf32> to vector<128x64xf32>
    %transpose3A_152 = tpu.transpose %squeeze3A_151, [1, 0] : vector<128x64xf32> -> vector<64x128xf32>
    %slice3A_153 = vector.extract_strided_slice %reshape3A_77 {offsets = [0, 26, 0], sizes = [128, 1, 64], strides = [1, 1, 1]} : vector<128x32x64xf32> to vector<128x1x64xf32>
    %squeeze3A_154 = vector.shape_cast %slice3A_153 : vector<128x1x64xf32> to vector<128x64xf32>
    %transpose3A_155 = tpu.transpose %squeeze3A_154, [1, 0] : vector<128x64xf32> -> vector<64x128xf32>
    %slice3A_156 = vector.extract_strided_slice %reshape3A_77 {offsets = [0, 27, 0], sizes = [128, 1, 64], strides = [1, 1, 1]} : vector<128x32x64xf32> to vector<128x1x64xf32>
    %squeeze3A_157 = vector.shape_cast %slice3A_156 : vector<128x1x64xf32> to vector<128x64xf32>
    %transpose3A_158 = tpu.transpose %squeeze3A_157, [1, 0] : vector<128x64xf32> -> vector<64x128xf32>
    %slice3A_159 = vector.extract_strided_slice %reshape3A_77 {offsets = [0, 28, 0], sizes = [128, 1, 64], strides = [1, 1, 1]} : vector<128x32x64xf32> to vector<128x1x64xf32>
    %squeeze3A_160 = vector.shape_cast %slice3A_159 : vector<128x1x64xf32> to vector<128x64xf32>
    %transpose3A_161 = tpu.transpose %squeeze3A_160, [1, 0] : vector<128x64xf32> -> vector<64x128xf32>
    %slice3A_162 = vector.extract_strided_slice %reshape3A_77 {offsets = [0, 29, 0], sizes = [128, 1, 64], strides = [1, 1, 1]} : vector<128x32x64xf32> to vector<128x1x64xf32>
    %squeeze3A_163 = vector.shape_cast %slice3A_162 : vector<128x1x64xf32> to vector<128x64xf32>
    %transpose3A_164 = tpu.transpose %squeeze3A_163, [1, 0] : vector<128x64xf32> -> vector<64x128xf32>
    %slice3A_165 = vector.extract_strided_slice %reshape3A_77 {offsets = [0, 30, 0], sizes = [128, 1, 64], strides = [1, 1, 1]} : vector<128x32x64xf32> to vector<128x1x64xf32>
    %squeeze3A_166 = vector.shape_cast %slice3A_165 : vector<128x1x64xf32> to vector<128x64xf32>
    %transpose3A_167 = tpu.transpose %squeeze3A_166, [1, 0] : vector<128x64xf32> -> vector<64x128xf32>
    %slice3A_168 = vector.extract_strided_slice %reshape3A_77 {offsets = [0, 31, 0], sizes = [128, 1, 64], strides = [1, 1, 1]} : vector<128x32x64xf32> to vector<128x1x64xf32>
    %squeeze3A_169 = vector.shape_cast %slice3A_168 : vector<128x1x64xf32> to vector<128x64xf32>
    %transpose3A_170 = tpu.transpose %squeeze3A_169, [1, 0] : vector<128x64xf32> -> vector<64x128xf32>
    %concatenate3A_171 = tpu.concatenate %transpose3A, %transpose3A_80, %transpose3A_83, %transpose3A_86, %transpose3A_89, %transpose3A_92, %transpose3A_95, %transpose3A_98, %transpose3A_101, %transpose3A_104, %transpose3A_107, %transpose3A_110, %transpose3A_113, %transpose3A_116, %transpose3A_119, %transpose3A_122, %transpose3A_125, %transpose3A_128, %transpose3A_131, %transpose3A_134, %transpose3A_137, %transpose3A_140, %transpose3A_143, %transpose3A_146, %transpose3A_149, %transpose3A_152, %transpose3A_155, %transpose3A_158, %transpose3A_161, %transpose3A_164, %transpose3A_167, %transpose3A_170 in 0 : vector<64x128xf32>, vector<64x128xf32>, vector<64x128xf32>, vector<64x128xf32>, vector<64x128xf32>, vector<64x128xf32>, vector<64x128xf32>, vector<64x128xf32>, vector<64x128xf32>, vector<64x128xf32>, vector<64x128xf32>, vector<64x128xf32>, vector<64x128xf32>, vector<64x128xf32>, vector<64x128xf32>, vector<64x128xf32>, vector<64x128xf32>, vector<64x128xf32>, vector<64x128xf32>, vector<64x128xf32>, vector<64x128xf32>, vector<64x128xf32>, vector<64x128xf32>, vector<64x128xf32>, vector<64x128xf32>, vector<64x128xf32>, vector<64x128xf32>, vector<64x128xf32>, vector<64x128xf32>, vector<64x128xf32>, vector<64x128xf32>, vector<64x128xf32> -> vector<2048x128xf32>
    %swap3A = arith.constant 0 : index
    %swap3A_172 = arith.constant 0 : index
    %swap3A_173 = vector.load %arg15[%swap3A, %swap3A_172] : memref<2048x128xf32, #tpu.memory_space<vmem>>, vector<2048x128xf32>
    tpu.vector_store %arg15[%swap3A, %swap3A_172], %concatenate3A_171 {strides = array<i32>} : memref<2048x128xf32, #tpu.memory_space<vmem>>, vector<2048x128xf32>,
    %get3A_174 = arith.constant 0 : index
    %get3A_175 = arith.constant 0 : index
    %get3A_176 = vector.load %arg12[%get3A_174, %get3A_175] : memref<1x2048xf32, #tpu.memory_space<vmem>>, vector<1x2048xf32>
    %dot_general3A_177 = arith.constant dense<0.000000e+00> : vector<1x128xf32>
    %dot_general3A_178 = tpu.matmul %get3A_176, %concatenate3A_171, %dot_general3A_177 {dimension_numbers = #tpu.dot_dimension_numbers<[1], [0], [0], [1], [0, 0, 1, 1], [], []>, transpose_lhs_hint = false} : vector<1x2048xf32>, vector<2048x128xf32>, vector<1x128xf32> -> vector<1x128xf32>
    %get3A_179 = arith.constant 0 : index
    %get3A_180 = arith.constant 0 : index
    %get3A_181 = vector.load %arg13[%get3A_179, %get3A_180] : memref<1x1xf32, #tpu.memory_space<vmem>>, vector<1x1xf32>
    %add3A_182 = vector.broadcast %get3A_181 : vector<1x1xf32> to vector<1x128xf32>
    %add3A_183 = arith.addf %dot_general3A_178, %add3A_182 : vector<1x128xf32>
    %swap3A_184 = arith.constant 0 : index
    %swap3A_185 = arith.constant 0 : index
    %swap3A_186 = vector.load %arg14[%swap3A_184, %swap3A_185] : memref<1x128xf32, #tpu.memory_space<vmem>>, vector<1x128xf32>
    tpu.vector_store %arg14[%swap3A_184, %swap3A_185], %add3A_183 {strides = array<i32>} : memref<1x128xf32, #tpu.memory_space<vmem>>, vector<1x128xf32>,
    return
  }
  func.func @transform_0(%arg0: i32) -> (i32, i32) {
    %c0_i32 = arith.constant 0 : i32
    %c0_i32_0 = arith.constant 0 : i32
    return %arg0, %c0_i32 : i32, i32
  }
  func.func @transform_1(%arg0: i32) -> (i32, i32) {
    %c0_i32 = arith.constant 0 : i32
    %c0_i32_0 = arith.constant 0 : i32
    return %arg0, %c0_i32 : i32, i32
  }
  func.func @transform_2(%arg0: i32) -> (i32, i32) {
    %c0_i32 = arith.constant 0 : i32
    %c0_i32_0 = arith.constant 0 : i32
    %c0_i32_1 = arith.constant 0 : i32
    return %c0_i32, %c0_i32_0 : i32, i32
  }
  func.func @transform_3(%arg0: i32) -> (i32, i32) {
    %c0_i32 = arith.constant 0 : i32
    %c0_i32_0 = arith.constant 0 : i32
    %c0_i32_1 = arith.constant 0 : i32
    return %c0_i32, %c0_i32_0 : i32, i32
  }
  func.func @transform_4(%arg0: i32) -> (i32, i32) {
    %c0_i32 = arith.constant 0 : i32
    %c0_i32_0 = arith.constant 0 : i32
    %c0_i32_1 = arith.constant 0 : i32
    return %c0_i32, %c0_i32_0 : i32, i32
  }
  func.func @transform_5(%arg0: i32) -> (i32, i32) {
    %c0_i32 = arith.constant 0 : i32
    %c0_i32_0 = arith.constant 0 : i32
    %c0_i32_1 = arith.constant 0 : i32
    return %c0_i32, %c0_i32_0 : i32, i32
  }
  func.func @transform_6(%arg0: i32) -> (i32, i32) {
    %c0_i32 = arith.constant 0 : i32
    %c0_i32_0 = arith.constant 0 : i32
    %c0_i32_1 = arith.constant 0 : i32
    return %c0_i32, %c0_i32_0 : i32, i32
  }
  func.func @transform_7(%arg0: i32) -> (i32, i32) {
    %c0_i32 = arith.constant 0 : i32
    %c0_i32_0 = arith.constant 0 : i32
    %c0_i32_1 = arith.constant 0 : i32
    return %c0_i32, %c0_i32_0 : i32, i32
  }
  func.func @transform_8(%arg0: i32) -> (i32, i32) {
    %c0_i32 = arith.constant 0 : i32
    %c0_i32_0 = arith.constant 0 : i32
    %c0_i32_1 = arith.constant 0 : i32
    return %c0_i32, %c0_i32_0 : i32, i32
  }
  func.func @transform_9(%arg0: i32) -> (i32, i32) {
    %c0_i32 = arith.constant 0 : i32
    %c0_i32_0 = arith.constant 0 : i32
    %c0_i32_1 = arith.constant 0 : i32
    return %c0_i32, %c0_i32_0 : i32, i32
  }
  func.func @transform_10(%arg0: i32) -> (i32, i32) {
    %c0_i32 = arith.constant 0 : i32
    %c0_i32_0 = arith.constant 0 : i32
    %c0_i32_1 = arith.constant 0 : i32
    return %c0_i32, %c0_i32_0 : i32, i32
  }
  func.func @transform_11(%arg0: i32) -> (i32, i32) {
    %c0_i32 = arith.constant 0 : i32
    %c0_i32_0 = arith.constant 0 : i32
    %c0_i32_1 = arith.constant 0 : i32
    return %c0_i32, %c0_i32_0 : i32, i32
  }
  func.func @transform_12(%arg0: i32) -> (i32, i32) {
    %c0_i32 = arith.constant 0 : i32
    %c0_i32_0 = arith.constant 0 : i32
    %c0_i32_1 = arith.constant 0 : i32
    return %c0_i32, %c0_i32_0 : i32, i32
  }
  func.func @transform_13(%arg0: i32) -> (i32, i32) {
    %c0_i32 = arith.constant 0 : i32
    %c0_i32_0 = arith.constant 0 : i32
    return %c0_i32, %arg0 : i32, i32
  }
  func.func @transform_14(%arg0: i32) -> (i32, i32) {
    %c0_i32 = arith.constant 0 : i32
    %c0_i32_0 = arith.constant 0 : i32
    return %c0_i32, %arg0 : i32, i32
  }
}

</mosaic_0001>

<sc_bundles>
// kernel: kernel.5.cloned.1.call-start
scs
__scs_entry_jumppad:
0x0: {  	(pc) =	sbr.rel $0x88, $3  }
0x1: {  	(tag) =	ssettag $0x0;
	lr =	simm.s32 $0x1  }
0x2: {  	[smem:$0x3F96] =	sst lr;
	_ =	strace $0xD0000000  }
0x3: {  	_ = 	snop  }
0x4: {  	_ = 	snop  }
0x5: {  	_ = 	snop  }
0x6: {  	_ = 	snop  }
0x7: {  	_ = 	snop  }
__scs_overlays_trampoline_lowered:
0x8: {  	[smem:$0x3FA5] =	sst s0  }
0x9: {  	[smem:$0x3FA6] =	sst s1  }
0xa: {  	[smem:$0x3FA7] =	sst s2  }
0xb: {  	[smem:$0x3FA8] =	sst s3  }
0xc: {  	[smem:$0x3FA9] =	sst s4  }
0xd: {  	[smem:$0x3FAA] =	sst s5  }
0xe: {  	[smem:$0x3FAB] =	sst s6  }
0xf: {  	[smem:$0x3FAC] =	sst s7  }
0x10: {  	[smem:$0x3FAD] =	sst s8  }
0x11: {  	[smem:$0x3FAE] =	sst s9;
	s0 =	simm.s32 @!p0 $0x0  }
0x12: {  	s1 =	sld [smem:$0x3F94];
	s0 =	simm.s32 @p0 $0x1  }
0x13: {  	[smem:$0x3FAF] =	sst s0;
	s0 =	simm.s32 @!p1 $0x0  }
0x14: {  	s2 =	sld [smem:$0x3F93];
	s0 =	simm.s32 @p1 $0x1  }
0x15: {  	[smem:$0x3FB0] =	sst s0;
	s0 =	simm.s32 @!p2 $0x0  }
0x16: {  	s3 =	sld [smem:$0x3FDB];
	s0 =	simm.s32 @p2 $0x1  }
0x17: {  	s4 =	simm.s32 $0x1BF5;
	[smem:$0x3FB2] =	sst s0  }
0x18: {  	s0 =	sld [smem:$0x3F95];
	_ =	swait.ge [sflag:s4], $0x0  }
0x19: {  	s7 =	sld [smem:$0x3F96]  }
0x1a: {  	s8 =	sadd.s32 $0xFFFFE003, lr  }
0x1b: {  	s9 =	sadd.s32 $0xFFFFFEF7, lr;
	s5 =	simm.s32 $0xFFFFFFFF;
	p2 =	slt.u32 s8, $0xFFFFF086  }
0x1c: {  	p1 =	slt.u32 s9, $0xF7A;
	s5 =	simm.s32 @!p2 $0x0  }
0x1d: {  	s5 =	simm.s32 @p1 $0x1;
	p0 =	seq.s32 s7, s2  }
0x1e: {  	s7 =	smul.u32 @!p0 $0xF7A, s2;
	p2 =	seq.s32 @!p0 s5, $0x0  }
0x1f: {  	s9 =	smul.u32 $0xF7A, s1;
	s8 =	simm.s32 @!p0 $0x1BF5;
	p2 =	por !p2, p0  }
0x20: {  	[sflag:s8] =	ssyncset.s32 @!p0 $0xFFFFF086;
	s6 =	sadd.s32 @!p0 s3, s7;
	s7 =	simm.s32 @!p0 $0x108  }
0x21: {  	s3 =	sadd.s32 s3, s9;
	s6 =	sadd.s32 @!p0 $0x88, s6;
	s7 =	simm.s32 @p2 $0x1082  }
0x22: {  	[simem:s7], [sflag:s8] =	dma.local @!p0 [hbm:s6], $0xF7A  }
0x23: {  	s9 =	sor.u32 $0xD0000000, s2;
	s6 =	simm.s32 $0x108;
	_ =	swait.ge @!p0 [sflag:s8], $0x0  }
0x24: {  	s3 =	sadd.s32 $0x88, s3;
	s6 =	simm.s32 @!p1 $0x1082;
	[sflag:s4] =	ssyncset.s32 $0xFFFFF086  }
0x25: {  	[simem:s6], [sflag:s4] =	dma.local [hbm:s3], $0xF7A  }
0x26: {  	[smem:$0x3F96] =	sst s1;
	(tag) =	ssettag s2;
	_ =	strace s9  }
0x27: {  	s1 =	sld [smem:$0x3FA6]  }
0x28: {  	s2 =	sld [smem:$0x3FA7]  }
0x29: {  	s4 =	sld [smem:$0x3FA9]  }
0x2a: {  	p0 =	seq.s32 s5, $0x0;
	s5 =	sld [smem:$0x3FAA]  }
0x2b: {  	s6 =	sld [smem:$0x3FAB]  }
0x2c: {  	s7 =	sld [smem:$0x3FAC]  }
0x2d: {  	s3 =	simm.s32 $0x108;
	s8 =	sld [smem:$0x3FAD]  }
0x2e: {  	s3 =	simm.s32 @!p0 $0x1082;
	s9 =	sld [smem:$0x3FAE]  }
0x2f: {  	lr =	sadd.s32 s0, s3;
	s0 =	sld [smem:$0x3FA5]  }
0x30: {  	s3 =	sld [smem:$0x3FA8]  }
0x31: {  	[smem:$0x3FB1] =	sst s10  }
0x32: {  	s10 =	sld [smem:$0x3FAF];
	_ =	sdelay $0x3  }
0x33: {  	p0 =	seq.s32 s10, $0x1;
	s10 =	sld [smem:$0x3FB1];
	_ =	sdelay $0x3  }
0x34: {  	[smem:$0x3FB1] =	sst s10  }
0x35: {  	s10 =	sld [smem:$0x3FB0];
	_ =	sdelay $0x3  }
0x36: {  	p1 =	seq.s32 s10, $0x1;
	s10 =	sld [smem:$0x3FB1];
	_ =	sdelay $0x3  }
0x37: {  	[smem:$0x3FB1] =	sst s10  }
0x38: {  	s10 =	sld [smem:$0x3FB2]  }
0x39: {  	_ = 	snop;
	(pc) =	sbr.ind lr, $3  }
0x3a: {  	_ = 	snop  }
0x3b: {  	_ = 	snop  }
0x3c: {  	p2 =	seq.s32 s10, $0x1;
	s10 =	sld [smem:$0x3FB1]  }
0x3d: {  	_ =	shalt  }
0x3e: {  	_ =	shalt  }
0x3f: {  	_ =	shalt  }
0x40: {  	_ =	shalt  }
0x41: {  	_ =	shalt  }
0x42: {  	_ =	shalt  }
0x43: {  	_ =	shalt  }
0x44: {  	_ =	shalt  }
0x45: {  	_ =	shalt  }
0x46: {  	_ =	shalt  }
0x47: {  	_ =	shalt  }
0x48: {  	_ =	shalt  }
0x49: {  	_ =	shalt  }
0x4a: {  	_ =	shalt  }
0x4b: {  	_ =	shalt  }
0x4c: {  	_ =	shalt  }
0x4d: {  	_ =	shalt  }
0x4e: {  	_ =	shalt  }
0x4f: {  	_ =	shalt  }
0x50: {  	_ =	shalt  }
0x51: {  	_ =	shalt  }
0x52: {  	_ =	shalt  }
0x53: {  	_ =	shalt  }
0x54: {  	_ =	shalt  }
0x55: {  	_ =	shalt  }
0x56: {  	_ =	shalt  }
0x57: {  	_ =	shalt  }
0x58: {  	_ =	shalt  }
0x59: {  	_ =	shalt  }
0x5a: {  	_ =	shalt  }
0x5b: {  	_ =	shalt  }
0x5c: {  	_ =	shalt  }
0x5d: {  	_ =	shalt  }
0x5e: {  	_ =	shalt  }
0x5f: {  	_ =	shalt  }
0x60: {  	_ =	shalt  }
0x61: {  	_ =	shalt  }
0x62: {  	_ =	shalt  }
0x63: {  	_ =	shalt  }
0x64: {  	_ =	shalt  }
0x65: {  	_ =	shalt  }
0x66: {  	_ =	shalt  }
0x67: {  	_ =	shalt  }
0x68: {  	_ =	shalt  }
0x69: {  	_ =	shalt  }
0x6a: {  	_ =	shalt  }
0x6b: {  	_ =	shalt  }
0x6c: {  	_ =	shalt  }
0x6d: {  	_ =	shalt  }
0x6e: {  	_ =	shalt  }
0x6f: {  	_ =	shalt  }
0x70: {  	_ =	shalt  }
0x71: {  	_ =	shalt  }
0x72: {  	_ =	shalt  }
0x73: {  	_ =	shalt  }
0x74: {  	_ =	shalt  }
0x75: {  	_ =	shalt  }
0x76: {  	_ =	shalt  }
0x77: {  	_ =	shalt  }
0x78: {  	_ =	shalt  }
0x79: {  	_ =	shalt  }
0x7a: {  	_ =	shalt  }
0x7b: {  	_ =	shalt  }
0x7c: {  	_ =	shalt  }
0x7d: {  	_ =	shalt  }
0x7e: {  	_ =	shalt  }
0x7f: {  	_ =	shalt  }
0x80: {  	_ =	shalt  }
0x81: {  	_ =	shalt  }
0x82: {  	_ =	shalt  }
0x83: {  	_ =	shalt  }
0x84: {  	_ =	shalt  }
0x85: {  	_ =	shalt  }
0x86: {  	_ =	shalt  }
0x87: {  	_ =	shalt  }
.Lfunc_end0:
.L_simem_size_0:
called_computation_lowered:
.L_overlay_start_0:
0x88: {  	s2 =	sld [smem:$0x3FD9]  }
0x89: {  	s3 =	sld [smem:$0x3FFE];
	_ =	sdelay $0x1  }
0x8a: {  	s1 =	srdreg.scid  }
0x8b: {  	s0 =	sand.u32 $0x1, s1  }
0x8c: {  	s14 =	sshll.u32 s0, $0xA;
	s2 =	sadd.s32 s3, s2  }
0x8d: {  	s2 =	sadd.s32 s2, s14  }
0x8e: {  	[smem:$0x3FBD] =	sst s2  }
0x8f: {  	_ = 	snop  }
0x90: {  	s2 =	sld [smem:$0x3FD0];
	_ =	sdelay $0x2  }
0x91: {  	s15 =	simm.s32 $0xA;
	s4 =	simm.s32 $0x10  }
0x92: {  	[smem:s4], [sflag:s15] =	dma.local [hbm:s2], $0x1  }
0x93: {  	_ =	swait.eq [sflag:s15], $0x1  }
0x94: {  	[sflag:s15] =	ssyncset.done $0x0  }
0x95: {  	[sflag:s15] =	ssyncadd.s32 $0xFFFFFFFF  }
0x96: {  	s16 =	sld [smem:$0x11];
	(tm) =	ssettm $0x1  }
0x97: {  	s17 =	sld [smem:$0x3FFB];
	_ =	sdelay $0x3  }
0x98: {  	_ =	strace s17  }
0x99: {  	s3 =	sld [smem:$0x3FFC];
	_ =	sdelay $0x3  }
0x9a: {  	_ =	strace s3  }
0x9b: {  	s3 =	sld [smem:$0x3FFD];
	_ =	sdelay $0x3  }
0x9c: {  	_ =	strace s3  }
0x9d: {  	_ =	strace $0x8FFFFFFF  }
0x9e: {  	s18 =	sld [smem:$0x3FDB];
	_ =	sdelay $0x1  }
0x9f: {  	s19 =	simm.s32 $_scs_section_size  }
0xa0: {  	s5 =	simm.s32 $_size__tile_overlayer_lowered;
	s6 =	simm.s32 $_tile_overlayer_lowered  }
0xa1: {  	s22 =	simm.s32 $0x1BFF;
	s21 =	sshll.u32 s6, $0x1;
	s3 =	sadd.s32 s19, s18  }
0xa2: {  	s7 =	simm.s32 $0x0;
	s20 =	sshll.u32 s5, $0x1;
	s5 =	sadd.s32 s21, s3  }
0xa3: {  	[timem:s7], [sflag:s22] =	dma.local [hbm:s5], s20  }
0xa4: {  	_ =	swait.ge [sflag:s22], s20  }
0xa5: {  	s4 =	ssub.s32 $0x0, s20;
	[sflag:s22] =	ssyncset.done $0x0  }
0xa6: {  	[sflag:s22] =	ssyncadd.s32 s4;
	_ =	sdelay $0x1  }
0xa7: {  	s23 =	simm.s32 $0x1B8B  }
0xa8: {  	_ =	swait.ge [sflag:s23], $0x1  }
0xa9: {  	[sflag:s23] =	ssyncset.done $0x0  }
0xaa: {  	s25 =	simm.s32 $0x1B8E;
	s24 =	sld [smem:$0x3FFE];
	[sflag:s23] =	ssyncadd.s32 $0xFFFFFFFF  }
0xab: {  	s26 =	simm.s32 $execute0_lowered;
	[smem:$0x3FD2] =	sst s25  }
0xac: {  	s5 =	sshll.u32 s26, $0x1;
	_ =	strace $0x80000046;
	[dreg:$0x1] =	wrdreg $0xFFFFFFFF  }
0xad: {  	s28 =	simm.s32 $_size_execute0_lowered;
	s3 =	sadd.s32 s3, s5;
	[dreg:$0x0] =	wrdreg $0x0  }
0xae: {  	s5 =	sshll.u32 s28, $0x1;
	[dreg:$0x2] =	wrdreg s3  }
0xaf: {  	[dreg:$0x3] =	wrdreg s5  }
0xb0: {  	[dreg:$0x4] =	wrdreg $0xC0  }
0xb1: {  	_ =	task [dreg:s7], $0x5FFFF  }
0xb2: {  	[dreg:$0x1] =	wrdreg $0xFFFFFFFF  }
0xb3: {  	[dreg:$0x0] =	wrdreg $0x60  }
0xb4: {  	[dreg:$0x2] =	wrdreg s24  }
0xb5: {  	[dreg:$0x3] =	wrdreg s16  }
0xb6: {  	[dreg:$0x4] =	wrdreg $0x9  }
0xb7: {  	_ =	task.clear_ibuf [dreg:s7], $0x5FFFF;
	_ =	strace $0x90000046  }
0xb8: {  	s29 =	simm.s32 $0x9;
	_ =	strace $0x80000048  }
0xb9: {  	_ =	swait.ge [sflag:s29], $0x1  }
0xba: {  	[sflag:s29] =	ssyncadd.s32 $0xFFFFFFFF  }
0xbb: {  	_ =	strace $0x90000048  }
0xbc: {  	_ =	sfence  }
0xbd: {  	s30 =	sld [smem:$0x0];
	_ =	sdelay $0x2  }
0xbe: {  	s31 =	sshll.u32 s1, $0xD;
	s1 =	sshrl.u32 s1, $0x2  }
0xbf: {  	s3 =	sand.u32 $0x4000, s31;
	s1 =	sadd.s32 s1, s30  }
0xc0: {  	s0 =	sor.u32 s3, s0;
	s1 =	sshll.u32 s1, $0x11  }
0xc1: {  	s0 =	sor.u32 s1, s0  }
0xc2: {  	s0 =	sadd.s32 $0x8F2B, s0  }
0xc3: {  	[sflag:s0] =	ssyncadd.remote.s32 $0x1  }
0xc4: {  	_ =	sfence.sel $0xFFFF  }
0xc5: {  	[dreg:$0x0] =	wrdreg $0xFFFFFFFF;
	(pc) =	sbr.abs _section_cstart, $3  }
0xc6: {  	[dreg:$0x1] =	wrdreg $0xFFFFFFFF  }
0xc7: {  	_ =	task.clear_ibuf [dreg:s7], $0x2FFFF;
	_ =	strace $0x9FFFFFFF  }
0xc8: {  	(tm) =	ssettm $0x7FFFFFFF  }
0xc9: {  	_ =	shalt  }
tec
execute0_lowered:
.L_overlay_start_1:
0x0: {  	(tag) =	ssettag $0x1  }
0x1: {  	s3 =	rddreg [dreg:$0x0]  }
0x2: {  	s1 =	srdreg.scid;
	s0 =	stileid.u32  }
0x3: {  	s4 =	rddreg [dreg:$0x1];
	s2 =	simm.s32 $0x0;
	s8 =	simm.s32 $0xA000  }
0x4: {  	s5 =	sand.u32 $0x1, s1;
	s6 =	sshll.u32 s0, $0x1;
	s1 =	rddreg [dreg:$0x2]  }
0x5: {  	s9 =	simm.s32 $0x0;
	[smem:$0x7FF] =	sst s2;
	s6 =	sor.u32 s5, s6  }
0x6: {  	v0 =	vlaneseq.u32;
	s5 =	ssub.s32 $0x2, s5;
	_ =	strace $0x80000047;
	s7 =	sshll.u32 s6, $0xA  }
0x7: {  	v0 =	vmul.u32 $0x21, v0;
	s31 =	sshrl.u32 s5, $0x1;
	s6 =	sshll.u32 s6, $0xB;
	s3 =	sadd.s32 s7, s3  }
0x8: {  	s5 =	ssub.s32 s5, s31;
	s4 =	sadd.s32 s4, s6;
	s6 =	simm.s32 $0x1  }
0x9: {  	v1 =	vimm.s32 $0x0;
	v2 =	vimm.s32 $0x1;
	v3 =	vadd.s32 $0x210, v0;
	s7 =	simm.s32 $0x2000;
	s3 =	sadd.s32 $0x1C00, s3;
	s5 =	smax.u32 s5, $0x1  }
.LBB2_1:
0xa: {  	[tilespmem:s2], [sflag:$0x1] =	stream.linear.gather [hbm4b:s3+s2], $0x2000, $0x38;
	[tilespmem:$0xE000] =	vst v63  }
0xb: {  	_ =	swait.ge [sflag:s6], $0x2000  }
0xc: {  	[sflag:s6] =	ssyncset.done $0x0  }
0xd: {  	s10 =	simm.s32 $0x2040;
	[sflag:s6] =	ssyncadd.s32 $0xFFFFE000  }
0xe: {  	[tilespmem:s10+$0xFFFFFFC0] =	vst v1  }
0xf: {  	[tilespmem:s10+$0x30] =	vst v1  }
0x10: {  	[tilespmem:s10+$0x20] =	vst v1  }
0x11: {  	[tilespmem:s10+$0x10] =	vst v1  }
0x12: {  	[tilespmem:s10+$0x0] =	vst v1  }
0x13: {  	[tilespmem:s10+$0xFFFFFFF0] =	vst v1  }
0x14: {  	s11 =	simm.s32 $0x0;
	[tilespmem:s10+$0xFFFFFFE0] =	vst v1  }
.LBB2_2:
0x15: {  	s11 =	sadd.s32 $0x8, s11;
	[tilespmem:s10+$0xFFFFFFD0] =	vst v1;
	s10 =	sadd.s32 $0x80, s10  }
0x16: {  	[tilespmem:s10+$0xFFFFFFC0] =	vst v1;
	p0 =	slt.u32 s11, $0x7F8  }
0x17: {  	[tilespmem:s10+$0x30] =	vst v1  }
.Ltmp0:
0x18: {  	[tilespmem:s10+$0x20] =	vst v1;
	(pc) =	sbr.rel @p0 .LBB2_2-.Ltmp0, $4  }
0x19: {  	[tilespmem:s10+$0x10] =	vst v1  }
0x1a: {  	[tilespmem:s10+$0x0] =	vst v1  }
0x1b: {  	[tilespmem:s10+$0xFFFFFFF0] =	vst v1  }
0x1c: {  	[tilespmem:s10+$0xFFFFFFE0] =	vst v1  }
0x1d: {  	[tilespmem:s10+$0xFFFFFFD0] =	vst v1;
	s10 =	simm.s32 $0x0  }
.LBB2_4:
0x1e: {  	s11 =	sshra.s32 s10, $0x2  }
0x1f: {  	v4 =	vld [tilespmem:s11+$0x0];
	_ =	sdelay $0x4  }
0x20: {  	v5 =	vand.u32 $0xFF80, v4  }
0x21: {  	v6 =	vand.u32 $0x7F, v4;
	v5 =	vadd.s32 s10, v5  }
0x22: {  	v4 =	vshrl.u32 v4, $0x10;
	v5 =	vor.u32 v6, v5  }
0x23: {  	v4 =	vadd.s32 s10, v4;
	_ =	sdelay $0x3  }
0x24: {  	[tilespmem:v5+s7+$0x0] =	vst.idx.add.s32.msk $0xffff, v2  }
0x25: {  	[tilespmem:v4+s7+$0x0] =	vst.idx.add.s32.msk $0xffff, v2  }
0x26: {  	v4 =	vld [tilespmem:s11+$0x10];
	_ =	sdelay $0x4  }
0x27: {  	v5 =	vand.u32 $0xFF80, v4  }
0x28: {  	v48 =	vand.u32 $0x7F, v4;
	v5 =	vadd.s32 s10, v5  }
0x29: {  	v4 =	vshrl.u32 v4, $0x10;
	v5 =	vor.u32 v48, v5  }
0x2a: {  	v4 =	vadd.s32 s10, v4;
	_ =	sdelay $0x3  }
0x2b: {  	[tilespmem:v5+s7+$0x0] =	vst.idx.add.s32.msk $0xffff, v2  }
0x2c: {  	[tilespmem:v4+s7+$0x0] =	vst.idx.add.s32.msk $0xffff, v2  }
0x2d: {  	v4 =	vld [tilespmem:s11+$0x20];
	_ =	sdelay $0x4  }
0x2e: {  	v5 =	vand.u32 $0xFF80, v4  }
0x2f: {  	v49 =	vand.u32 $0x7F, v4;
	v5 =	vadd.s32 s10, v5  }
0x30: {  	v4 =	vshrl.u32 v4, $0x10;
	v5 =	vor.u32 v49, v5  }
0x31: {  	v4 =	vadd.s32 s10, v4;
	_ =	sdelay $0x3  }
0x32: {  	[tilespmem:v5+s7+$0x0] =	vst.idx.add.s32.msk $0xffff, v2  }
0x33: {  	[tilespmem:v4+s7+$0x0] =	vst.idx.add.s32.msk $0xffff, v2  }
0x34: {  	v4 =	vld [tilespmem:s11+$0x30];
	_ =	sdelay $0x4  }
0x35: {  	v5 =	vand.u32 $0xFF80, v4  }
0x36: {  	v50 =	vand.u32 $0x7F, v4;
	v5 =	vadd.s32 s10, v5  }
0x37: {  	v4 =	vshrl.u32 v4, $0x10;
	v5 =	vor.u32 v50, v5  }
0x38: {  	v4 =	vadd.s32 s10, v4;
	_ =	sdelay $0x3  }
0x39: {  	[tilespmem:v5+s7+$0x0] =	vst.idx.add.s32.msk $0xffff, v2  }
0x3a: {  	[tilespmem:v4+s7+$0x0] =	vst.idx.add.s32.msk $0xffff, v2  }
0x3b: {  	v4 =	vld [tilespmem:s11+$0x40];
	_ =	sdelay $0x4  }
0x3c: {  	v5 =	vand.u32 $0xFF80, v4  }
0x3d: {  	v51 =	vand.u32 $0x7F, v4;
	v5 =	vadd.s32 s10, v5  }
0x3e: {  	v4 =	vshrl.u32 v4, $0x10;
	v5 =	vor.u32 v51, v5  }
0x3f: {  	v4 =	vadd.s32 s10, v4;
	_ =	sdelay $0x3  }
0x40: {  	[tilespmem:v5+s7+$0x0] =	vst.idx.add.s32.msk $0xffff, v2  }
0x41: {  	[tilespmem:v4+s7+$0x0] =	vst.idx.add.s32.msk $0xffff, v2  }
0x42: {  	v4 =	vld [tilespmem:s11+$0x50];
	_ =	sdelay $0x4  }
0x43: {  	v5 =	vand.u32 $0xFF80, v4  }
0x44: {  	v52 =	vand.u32 $0x7F, v4;
	v5 =	vadd.s32 s10, v5  }
0x45: {  	v4 =	vshrl.u32 v4, $0x10;
	v5 =	vor.u32 v52, v5  }
0x46: {  	v4 =	vadd.s32 s10, v4;
	_ =	sdelay $0x3  }
0x47: {  	[tilespmem:v5+s7+$0x0] =	vst.idx.add.s32.msk $0xffff, v2  }
0x48: {  	[tilespmem:v4+s7+$0x0] =	vst.idx.add.s32.msk $0xffff, v2  }
0x49: {  	v4 =	vld [tilespmem:s11+$0x60];
	_ =	sdelay $0x4  }
0x4a: {  	v5 =	vand.u32 $0xFF80, v4  }
0x4b: {  	v53 =	vand.u32 $0x7F, v4;
	v5 =	vadd.s32 s10, v5  }
0x4c: {  	v4 =	vshrl.u32 v4, $0x10;
	v5 =	vor.u32 v53, v5  }
0x4d: {  	v4 =	vadd.s32 s10, v4;
	_ =	sdelay $0x3  }
0x4e: {  	[tilespmem:v5+s7+$0x0] =	vst.idx.add.s32.msk $0xffff, v2  }
0x4f: {  	[tilespmem:v4+s7+$0x0] =	vst.idx.add.s32.msk $0xffff, v2  }
0x50: {  	v4 =	vld [tilespmem:s11+$0x70];
	_ =	sdelay $0x4  }
0x51: {  	v5 =	vand.u32 $0xFF80, v4  }
0x52: {  	v54 =	vand.u32 $0x7F, v4;
	v5 =	vadd.s32 s10, v5  }
0x53: {  	v4 =	vshrl.u32 v4, $0x10;
	v5 =	vor.u32 v54, v5  }
0x54: {  	v4 =	vadd.s32 s10, v4;
	_ =	sdelay $0x3  }
0x55: {  	[tilespmem:v5+s7+$0x0] =	vst.idx.add.s32.msk $0xffff, v2  }
0x56: {  	[tilespmem:v4+s7+$0x0] =	vst.idx.add.s32.msk $0xffff, v2  }
0x57: {  	v4 =	vld [tilespmem:s11+$0x80];
	_ =	sdelay $0x4  }
0x58: {  	v5 =	vand.u32 $0xFF80, v4  }
0x59: {  	v55 =	vand.u32 $0x7F, v4;
	v5 =	vadd.s32 s10, v5  }
0x5a: {  	v4 =	vshrl.u32 v4, $0x10;
	v5 =	vor.u32 v55, v5  }
0x5b: {  	v4 =	vadd.s32 s10, v4;
	_ =	sdelay $0x3  }
0x5c: {  	[tilespmem:v5+s7+$0x0] =	vst.idx.add.s32.msk $0xffff, v2  }
0x5d: {  	[tilespmem:v4+s7+$0x0] =	vst.idx.add.s32.msk $0xffff, v2  }
0x5e: {  	v4 =	vld [tilespmem:s11+$0x90];
	_ =	sdelay $0x4  }
0x5f: {  	v5 =	vand.u32 $0xFF80, v4  }
0x60: {  	v56 =	vand.u32 $0x7F, v4;
	v5 =	vadd.s32 s10, v5  }
0x61: {  	v4 =	vshrl.u32 v4, $0x10;
	v5 =	vor.u32 v56, v5  }
0x62: {  	v4 =	vadd.s32 s10, v4;
	_ =	sdelay $0x3  }
0x63: {  	[tilespmem:v5+s7+$0x0] =	vst.idx.add.s32.msk $0xffff, v2  }
0x64: {  	[tilespmem:v4+s7+$0x0] =	vst.idx.add.s32.msk $0xffff, v2  }
0x65: {  	v4 =	vld [tilespmem:s11+$0xA0];
	_ =	sdelay $0x4  }
0x66: {  	v5 =	vand.u32 $0xFF80, v4  }
0x67: {  	v57 =	vand.u32 $0x7F, v4;
	v5 =	vadd.s32 s10, v5  }
0x68: {  	v4 =	vshrl.u32 v4, $0x10;
	v5 =	vor.u32 v57, v5  }
0x69: {  	v4 =	vadd.s32 s10, v4;
	_ =	sdelay $0x3  }
0x6a: {  	[tilespmem:v5+s7+$0x0] =	vst.idx.add.s32.msk $0xffff, v2  }
0x6b: {  	[tilespmem:v4+s7+$0x0] =	vst.idx.add.s32.msk $0xffff, v2  }
0x6c: {  	v4 =	vld [tilespmem:s11+$0xB0];
	_ =	sdelay $0x4  }
0x6d: {  	v5 =	vand.u32 $0xFF80, v4  }
0x6e: {  	v58 =	vand.u32 $0x7F, v4;
	v5 =	vadd.s32 s10, v5  }
0x6f: {  	v4 =	vshrl.u32 v4, $0x10;
	v5 =	vor.u32 v58, v5  }
0x70: {  	v4 =	vadd.s32 s10, v4;
	_ =	sdelay $0x3  }
0x71: {  	[tilespmem:v5+s7+$0x0] =	vst.idx.add.s32.msk $0xffff, v2  }
0x72: {  	[tilespmem:v4+s7+$0x0] =	vst.idx.add.s32.msk $0xffff, v2  }
0x73: {  	v4 =	vld [tilespmem:s11+$0xC0];
	_ =	sdelay $0x4  }
0x74: {  	v5 =	vand.u32 $0xFF80, v4  }
0x75: {  	v59 =	vand.u32 $0x7F, v4;
	v5 =	vadd.s32 s10, v5  }
0x76: {  	v4 =	vshrl.u32 v4, $0x10;
	v5 =	vor.u32 v59, v5  }
0x77: {  	v4 =	vadd.s32 s10, v4;
	_ =	sdelay $0x3  }
0x78: {  	[tilespmem:v5+s7+$0x0] =	vst.idx.add.s32.msk $0xffff, v2  }
0x79: {  	[tilespmem:v4+s7+$0x0] =	vst.idx.add.s32.msk $0xffff, v2  }
0x7a: {  	v4 =	vld [tilespmem:s11+$0xD0];
	_ =	sdelay $0x4  }
0x7b: {  	v5 =	vand.u32 $0xFF80, v4  }
0x7c: {  	v60 =	vand.u32 $0x7F, v4;
	v5 =	vadd.s32 s10, v5  }
0x7d: {  	v4 =	vshrl.u32 v4, $0x10;
	v5 =	vor.u32 v60, v5  }
0x7e: {  	v4 =	vadd.s32 s10, v4;
	_ =	sdelay $0x3  }
0x7f: {  	[tilespmem:v5+s7+$0x0] =	vst.idx.add.s32.msk $0xffff, v2  }
0x80: {  	[tilespmem:v4+s7+$0x0] =	vst.idx.add.s32.msk $0xffff, v2  }
0x81: {  	v4 =	vld [tilespmem:s11+$0xE0];
	_ =	sdelay $0x4  }
0x82: {  	v5 =	vand.u32 $0xFF80, v4  }
0x83: {  	v61 =	vand.u32 $0x7F, v4;
	v5 =	vadd.s32 s10, v5  }
0x84: {  	v4 =	vshrl.u32 v4, $0x10;
	v5 =	vor.u32 v61, v5  }
0x85: {  	v4 =	vadd.s32 s10, v4;
	_ =	sdelay $0x3  }
0x86: {  	[tilespmem:v5+s7+$0x0] =	vst.idx.add.s32.msk $0xffff, v2  }
0x87: {  	[tilespmem:v4+s7+$0x0] =	vst.idx.add.s32.msk $0xffff, v2  }
0x88: {  	v4 =	vld [tilespmem:s11+$0xF0];
	_ =	sdelay $0x4  }
0x89: {  	v5 =	vand.u32 $0xFF80, v4  }
0x8a: {  	v62 =	vand.u32 $0x7F, v4;
	v5 =	vadd.s32 s10, v5  }
0x8b: {  	v4 =	vshrl.u32 v4, $0x10;
	v5 =	vor.u32 v62, v5  }
0x8c: {  	v4 =	vadd.s32 s10, v4  }
0x8d: {  	v63 =	vor.u32 s10, v0  }
0x8e: {  	v7 =	vor.u32 s10, v3;
	p0 =	sne.s32 s10, $0x7C00  }
.Ltmp1:
0x8f: {  	_ = 	snop;
	(pc) =	sbr.rel @p0 .LBB2_4-.Ltmp1, $4  }
0x90: {  	[tilespmem:v5+s7+$0x0] =	vst.idx.add.s32.msk $0xffff, v2  }
0x91: {  	[tilespmem:v4+s7+$0x0] =	vst.idx.add.s32.msk $0xffff, v2  }
0x92: {  	[tilespmem:v63+s7+$0x0] =	vst.idx.add.s32.msk $0xffff, v2  }
0x93: {  	s10 =	sadd.s32 $0x400, s10;
	[tilespmem:v7+s7+$0x0] =	vst.idx.add.s32.msk $0xffff, v2  }
0x94: {  	s10 =	simm.s32 $0x2200  }
0x95: {  	v4 =	vld [tilespmem:s10+$0x0]  }
0x96: {  	v5 =	vld [tilespmem:s10+$0xFFFFFE00];
	_ =	sdelay $0x3  }
0x97: {  	v4 =	vshll.u32 v4, $0x10  }
0x98: {  	s11 =	simm.s32 $0x0;
	v4 =	vor.u32 v5, v4  }
0x99: {  	[tilespmem:s11+$0xA000] =	vst v4  }
0x9a: {  	v4 =	vld [tilespmem:s10+$0x10]  }
0x9b: {  	v5 =	vld [tilespmem:s10+$0xFFFFFE10];
	_ =	sdelay $0x3  }
0x9c: {  	v4 =	vshll.u32 v4, $0x10  }
0x9d: {  	v4 =	vor.u32 v5, v4  }
0x9e: {  	[tilespmem:s11+$0xA010] =	vst v4  }
0x9f: {  	v4 =	vld [tilespmem:s10+$0x20]  }
0xa0: {  	v5 =	vld [tilespmem:s10+$0xFFFFFE20];
	_ =	sdelay $0x3  }
0xa1: {  	v4 =	vshll.u32 v4, $0x10  }
0xa2: {  	v4 =	vor.u32 v5, v4  }
0xa3: {  	[tilespmem:s11+$0xA020] =	vst v4  }
0xa4: {  	v4 =	vld [tilespmem:s10+$0x30]  }
0xa5: {  	v5 =	vld [tilespmem:s10+$0xFFFFFE30];
	_ =	sdelay $0x3  }
0xa6: {  	v4 =	vshll.u32 v4, $0x10  }
0xa7: {  	v4 =	vor.u32 v5, v4  }
0xa8: {  	[tilespmem:s11+$0xA030] =	vst v4  }
0xa9: {  	v4 =	vld [tilespmem:s10+$0x40]  }
0xaa: {  	v5 =	vld [tilespmem:s10+$0xFFFFFE40];
	_ =	sdelay $0x3  }
0xab: {  	v4 =	vshll.u32 v4, $0x10  }
0xac: {  	v4 =	vor.u32 v5, v4  }
0xad: {  	[tilespmem:s11+$0xA040] =	vst v4  }
0xae: {  	v4 =	vld [tilespmem:s10+$0x50]  }
0xaf: {  	v5 =	vld [tilespmem:s10+$0xFFFFFE50];
	_ =	sdelay $0x3  }
0xb0: {  	v4 =	vshll.u32 v4, $0x10  }
0xb1: {  	v4 =	vor.u32 v5, v4  }
0xb2: {  	[tilespmem:s11+$0xA050] =	vst v4  }
0xb3: {  	v4 =	vld [tilespmem:s10+$0x60]  }
0xb4: {  	v5 =	vld [tilespmem:s10+$0xFFFFFE60];
	_ =	sdelay $0x3  }
0xb5: {  	v4 =	vshll.u32 v4, $0x10  }
0xb6: {  	v4 =	vor.u32 v5, v4  }
0xb7: {  	[tilespmem:s11+$0xA060] =	vst v4  }
0xb8: {  	v4 =	vld [tilespmem:s10+$0x70]  }
0xb9: {  	v5 =	vld [tilespmem:s10+$0xFFFFFE70];
	_ =	sdelay $0x3  }
0xba: {  	v4 =	vshll.u32 v4, $0x10  }
0xbb: {  	v4 =	vor.u32 v5, v4  }
0xbc: {  	[tilespmem:s11+$0xA070] =	vst v4  }
0xbd: {  	v4 =	vld [tilespmem:s10+$0x80]  }
0xbe: {  	v5 =	vld [tilespmem:s10+$0xFFFFFE80];
	_ =	sdelay $0x3  }
0xbf: {  	v4 =	vshll.u32 v4, $0x10  }
0xc0: {  	v4 =	vor.u32 v5, v4  }
0xc1: {  	[tilespmem:s11+$0xA080] =	vst v4  }
0xc2: {  	v4 =	vld [tilespmem:s10+$0x90]  }
0xc3: {  	v5 =	vld [tilespmem:s10+$0xFFFFFE90];
	_ =	sdelay $0x3  }
0xc4: {  	v4 =	vshll.u32 v4, $0x10  }
0xc5: {  	v4 =	vor.u32 v5, v4  }
0xc6: {  	[tilespmem:s11+$0xA090] =	vst v4  }
0xc7: {  	v4 =	vld [tilespmem:s10+$0xA0]  }
0xc8: {  	v5 =	vld [tilespmem:s10+$0xFFFFFEA0];
	_ =	sdelay $0x3  }
0xc9: {  	v4 =	vshll.u32 v4, $0x10  }
0xca: {  	v4 =	vor.u32 v5, v4  }
0xcb: {  	[tilespmem:s11+$0xA0A0] =	vst v4  }
0xcc: {  	v4 =	vld [tilespmem:s10+$0xB0]  }
0xcd: {  	v5 =	vld [tilespmem:s10+$0xFFFFFEB0];
	_ =	sdelay $0x3  }
0xce: {  	v4 =	vshll.u32 v4, $0x10  }
0xcf: {  	v4 =	vor.u32 v5, v4  }
0xd0: {  	[tilespmem:s11+$0xA0B0] =	vst v4  }
0xd1: {  	v4 =	vld [tilespmem:s10+$0xC0]  }
0xd2: {  	v5 =	vld [tilespmem:s10+$0xFFFFFEC0];
	_ =	sdelay $0x3  }
0xd3: {  	v4 =	vshll.u32 v4, $0x10  }
0xd4: {  	v4 =	vor.u32 v5, v4  }
0xd5: {  	[tilespmem:s11+$0xA0C0] =	vst v4  }
0xd6: {  	v4 =	vld [tilespmem:s10+$0xD0]  }
0xd7: {  	v5 =	vld [tilespmem:s10+$0xFFFFFED0];
	_ =	sdelay $0x3  }
0xd8: {  	v4 =	vshll.u32 v4, $0x10  }
0xd9: {  	v4 =	vor.u32 v5, v4  }
0xda: {  	[tilespmem:s11+$0xA0D0] =	vst v4  }
0xdb: {  	v4 =	vld [tilespmem:s10+$0xE0]  }
0xdc: {  	v5 =	vld [tilespmem:s10+$0xFFFFFEE0];
	_ =	sdelay $0x3  }
0xdd: {  	v4 =	vshll.u32 v4, $0x10  }
0xde: {  	v4 =	vor.u32 v5, v4  }
0xdf: {  	[tilespmem:s11+$0xA0E0] =	vst v4  }
0xe0: {  	v4 =	vld [tilespmem:s10+$0xF0]  }
0xe1: {  	v5 =	vld [tilespmem:s10+$0xFFFFFEF0];
	_ =	sdelay $0x3  }
0xe2: {  	v4 =	vshll.u32 v4, $0x10  }
0xe3: {  	v4 =	vor.u32 v5, v4  }
0xe4: {  	[tilespmem:s11+$0xA0F0] =	vst v4  }
0xe5: {  	v4 =	vld [tilespmem:s10+$0x100]  }
0xe6: {  	v5 =	vld [tilespmem:s10+$0xFFFFFF00];
	_ =	sdelay $0x3  }
0xe7: {  	v4 =	vshll.u32 v4, $0x10  }
0xe8: {  	v4 =	vor.u32 v5, v4  }
0xe9: {  	[tilespmem:s11+$0xA100] =	vst v4  }
0xea: {  	v4 =	vld [tilespmem:s10+$0x110]  }
0xeb: {  	v5 =	vld [tilespmem:s10+$0xFFFFFF10];
	_ =	sdelay $0x3  }
0xec: {  	v4 =	vshll.u32 v4, $0x10  }
0xed: {  	v4 =	vor.u32 v5, v4  }
0xee: {  	[tilespmem:s11+$0xA110] =	vst v4  }
0xef: {  	v4 =	vld [tilespmem:s10+$0x120]  }
0xf0: {  	v5 =	vld [tilespmem:s10+$0xFFFFFF20];
	_ =	sdelay $0x3  }
0xf1: {  	v4 =	vshll.u32 v4, $0x10  }
0xf2: {  	v4 =	vor.u32 v5, v4  }
0xf3: {  	[tilespmem:s11+$0xA120] =	vst v4  }
0xf4: {  	v4 =	vld [tilespmem:s10+$0x130]  }
0xf5: {  	v5 =	vld [tilespmem:s10+$0xFFFFFF30];
	_ =	sdelay $0x3  }
0xf6: {  	v4 =	vshll.u32 v4, $0x10  }
0xf7: {  	v4 =	vor.u32 v5, v4  }
0xf8: {  	[tilespmem:s11+$0xA130] =	vst v4  }
0xf9: {  	v4 =	vld [tilespmem:s10+$0x140]  }
0xfa: {  	v5 =	vld [tilespmem:s10+$0xFFFFFF40];
	_ =	sdelay $0x3  }
0xfb: {  	v4 =	vshll.u32 v4, $0x10  }
0xfc: {  	v4 =	vor.u32 v5, v4  }
0xfd: {  	[tilespmem:s11+$0xA140] =	vst v4  }
0xfe: {  	v4 =	vld [tilespmem:s10+$0x150]  }
0xff: {  	v5 =	vld [tilespmem:s10+$0xFFFFFF50];
	_ =	sdelay $0x3  }
0x100: {  	v4 =	vshll.u32 v4, $0x10  }
0x101: {  	v4 =	vor.u32 v5, v4  }
0x102: {  	[tilespmem:s11+$0xA150] =	vst v4  }
0x103: {  	v4 =	vld [tilespmem:s10+$0x160]  }
0x104: {  	v5 =	vld [tilespmem:s10+$0xFFFFFF60];
	_ =	sdelay $0x3  }
0x105: {  	v4 =	vshll.u32 v4, $0x10  }
0x106: {  	v4 =	vor.u32 v5, v4  }
0x107: {  	[tilespmem:s11+$0xA160] =	vst v4  }
0x108: {  	v4 =	vld [tilespmem:s10+$0x170]  }
0x109: {  	v5 =	vld [tilespmem:s10+$0xFFFFFF70];
	_ =	sdelay $0x3  }
0x10a: {  	v4 =	vshll.u32 v4, $0x10  }
0x10b: {  	v4 =	vor.u32 v5, v4  }
0x10c: {  	[tilespmem:s11+$0xA170] =	vst v4  }
0x10d: {  	v4 =	vld [tilespmem:s10+$0x180]  }
0x10e: {  	v5 =	vld [tilespmem:s10+$0xFFFFFF80];
	_ =	sdelay $0x3  }
0x10f: {  	v4 =	vshll.u32 v4, $0x10  }
0x110: {  	v4 =	vor.u32 v5, v4  }
0x111: {  	[tilespmem:s11+$0xA180] =	vst v4  }
0x112: {  	v4 =	vld [tilespmem:s10+$0x190]  }
0x113: {  	v5 =	vld [tilespmem:s10+$0xFFFFFF90];
	_ =	sdelay $0x3  }
0x114: {  	v4 =	vshll.u32 v4, $0x10  }
0x115: {  	v4 =	vor.u32 v5, v4  }
0x116: {  	[tilespmem:s11+$0xA190] =	vst v4  }
0x117: {  	v4 =	vld [tilespmem:s10+$0x1A0]  }
0x118: {  	v5 =	vld [tilespmem:s10+$0xFFFFFFA0];
	_ =	sdelay $0x3  }
0x119: {  	v4 =	vshll.u32 v4, $0x10  }
0x11a: {  	v4 =	vor.u32 v5, v4  }
0x11b: {  	[tilespmem:s11+$0xA1A0] =	vst v4  }
0x11c: {  	v4 =	vld [tilespmem:s10+$0x1B0]  }
0x11d: {  	v5 =	vld [tilespmem:s10+$0xFFFFFFB0];
	_ =	sdelay $0x3  }
0x11e: {  	v4 =	vshll.u32 v4, $0x10  }
0x11f: {  	v4 =	vor.u32 v5, v4  }
0x120: {  	[tilespmem:s11+$0xA1B0] =	vst v4  }
0x121: {  	v4 =	vld [tilespmem:s10+$0x1C0]  }
0x122: {  	v5 =	vld [tilespmem:s10+$0xFFFFFFC0];
	_ =	sdelay $0x3  }
0x123: {  	v4 =	vshll.u32 v4, $0x10  }
0x124: {  	v4 =	vor.u32 v5, v4  }
0x125: {  	[tilespmem:s11+$0xA1C0] =	vst v4  }
0x126: {  	v4 =	vld [tilespmem:s10+$0x1D0]  }
0x127: {  	v5 =	vld [tilespmem:s10+$0xFFFFFFD0];
	_ =	sdelay $0x3  }
0x128: {  	v4 =	vshll.u32 v4, $0x10  }
0x129: {  	v4 =	vor.u32 v5, v4  }
0x12a: {  	[tilespmem:s11+$0xA1D0] =	vst v4  }
0x12b: {  	v4 =	vld [tilespmem:s10+$0x1E0]  }
0x12c: {  	v5 =	vld [tilespmem:s10+$0xFFFFFFE0];
	_ =	sdelay $0x3  }
0x12d: {  	v4 =	vshll.u32 v4, $0x10  }
0x12e: {  	v4 =	vor.u32 v5, v4  }
0x12f: {  	[tilespmem:s11+$0xA1E0] =	vst v4  }
0x130: {  	v4 =	vld [tilespmem:s10+$0x1F0]  }
0x131: {  	v5 =	vld [tilespmem:s10+$0xFFFFFFF0];
	_ =	sdelay $0x3  }
0x132: {  	v4 =	vshll.u32 v4, $0x10  }
0x133: {  	s12 =	simm.s32 $0x800;
	v4 =	vor.u32 v5, v4  }
.LBB2_6:
0x134: {  	p0 =	sne.s32 s12, $0xF800  }
0x135: {  	[tilespmem:s11+$0xA1F0] =	vst v4;
	s10 =	sadd.s32 $0x400, s10;
	s11 =	smov.u32 s12;
	s12 =	sadd.s32 $0x800, s12  }
0x136: {  	v4 =	vld [tilespmem:s10+$0x0]  }
0x137: {  	v5 =	vld [tilespmem:s10+$0xFFFFFE00];
	_ =	sdelay $0x3  }
0x138: {  	v4 =	vshll.u32 v4, $0x10  }
0x139: {  	s11 =	sshra.s32 s11, $0x2;
	v4 =	vor.u32 v5, v4  }
0x13a: {  	[tilespmem:s11+$0xA000] =	vst v4  }
0x13b: {  	v4 =	vld [tilespmem:s10+$0x10]  }
0x13c: {  	v5 =	vld [tilespmem:s10+$0xFFFFFE10];
	_ =	sdelay $0x3  }
0x13d: {  	v4 =	vshll.u32 v4, $0x10  }
0x13e: {  	v4 =	vor.u32 v5, v4  }
0x13f: {  	[tilespmem:s11+$0xA010] =	vst v4  }
0x140: {  	v4 =	vld [tilespmem:s10+$0x20]  }
0x141: {  	v5 =	vld [tilespmem:s10+$0xFFFFFE20];
	_ =	sdelay $0x3  }
0x142: {  	v4 =	vshll.u32 v4, $0x10  }
0x143: {  	v4 =	vor.u32 v5, v4  }
0x144: {  	[tilespmem:s11+$0xA020] =	vst v4  }
0x145: {  	v4 =	vld [tilespmem:s10+$0x30]  }
0x146: {  	v5 =	vld [tilespmem:s10+$0xFFFFFE30];
	_ =	sdelay $0x3  }
0x147: {  	v4 =	vshll.u32 v4, $0x10  }
0x148: {  	v4 =	vor.u32 v5, v4  }
0x149: {  	[tilespmem:s11+$0xA030] =	vst v4  }
0x14a: {  	v4 =	vld [tilespmem:s10+$0x40]  }
0x14b: {  	v5 =	vld [tilespmem:s10+$0xFFFFFE40];
	_ =	sdelay $0x3  }
0x14c: {  	v4 =	vshll.u32 v4, $0x10  }
0x14d: {  	v4 =	vor.u32 v5, v4  }
0x14e: {  	[tilespmem:s11+$0xA040] =	vst v4  }
0x14f: {  	v4 =	vld [tilespmem:s10+$0x50]  }
0x150: {  	v5 =	vld [tilespmem:s10+$0xFFFFFE50];
	_ =	sdelay $0x3  }
0x151: {  	v4 =	vshll.u32 v4, $0x10  }
0x152: {  	v4 =	vor.u32 v5, v4  }
0x153: {  	[tilespmem:s11+$0xA050] =	vst v4  }
0x154: {  	v4 =	vld [tilespmem:s10+$0x60]  }
0x155: {  	v5 =	vld [tilespmem:s10+$0xFFFFFE60];
	_ =	sdelay $0x3  }
0x156: {  	v4 =	vshll.u32 v4, $0x10  }
0x157: {  	v4 =	vor.u32 v5, v4  }
0x158: {  	[tilespmem:s11+$0xA060] =	vst v4  }
0x159: {  	v4 =	vld [tilespmem:s10+$0x70]  }
0x15a: {  	v5 =	vld [tilespmem:s10+$0xFFFFFE70];
	_ =	sdelay $0x3  }
0x15b: {  	v4 =	vshll.u32 v4, $0x10  }
0x15c: {  	v4 =	vor.u32 v5, v4  }
0x15d: {  	[tilespmem:s11+$0xA070] =	vst v4  }
0x15e: {  	v4 =	vld [tilespmem:s10+$0x80]  }
0x15f: {  	v5 =	vld [tilespmem:s10+$0xFFFFFE80];
	_ =	sdelay $0x3  }
0x160: {  	v4 =	vshll.u32 v4, $0x10  }
0x161: {  	v4 =	vor.u32 v5, v4  }
0x162: {  	[tilespmem:s11+$0xA080] =	vst v4  }
0x163: {  	v4 =	vld [tilespmem:s10+$0x90]  }
0x164: {  	v5 =	vld [tilespmem:s10+$0xFFFFFE90];
	_ =	sdelay $0x3  }
0x165: {  	v4 =	vshll.u32 v4, $0x10  }
0x166: {  	v4 =	vor.u32 v5, v4  }
0x167: {  	[tilespmem:s11+$0xA090] =	vst v4  }
0x168: {  	v4 =	vld [tilespmem:s10+$0xA0]  }
0x169: {  	v5 =	vld [tilespmem:s10+$0xFFFFFEA0];
	_ =	sdelay $0x3  }
0x16a: {  	v4 =	vshll.u32 v4, $0x10  }
0x16b: {  	v4 =	vor.u32 v5, v4  }
0x16c: {  	[tilespmem:s11+$0xA0A0] =	vst v4  }
0x16d: {  	v4 =	vld [tilespmem:s10+$0xB0]  }
0x16e: {  	v5 =	vld [tilespmem:s10+$0xFFFFFEB0];
	_ =	sdelay $0x3  }
0x16f: {  	v4 =	vshll.u32 v4, $0x10  }
0x170: {  	v4 =	vor.u32 v5, v4  }
0x171: {  	[tilespmem:s11+$0xA0B0] =	vst v4  }
0x172: {  	v4 =	vld [tilespmem:s10+$0xC0]  }
0x173: {  	v5 =	vld [tilespmem:s10+$0xFFFFFEC0];
	_ =	sdelay $0x3  }
0x174: {  	v4 =	vshll.u32 v4, $0x10  }
0x175: {  	v4 =	vor.u32 v5, v4  }
0x176: {  	[tilespmem:s11+$0xA0C0] =	vst v4  }
0x177: {  	v4 =	vld [tilespmem:s10+$0xD0]  }
0x178: {  	v5 =	vld [tilespmem:s10+$0xFFFFFED0];
	_ =	sdelay $0x3  }
0x179: {  	v4 =	vshll.u32 v4, $0x10  }
0x17a: {  	v4 =	vor.u32 v5, v4  }
0x17b: {  	[tilespmem:s11+$0xA0D0] =	vst v4  }
0x17c: {  	v4 =	vld [tilespmem:s10+$0xE0]  }
0x17d: {  	v5 =	vld [tilespmem:s10+$0xFFFFFEE0];
	_ =	sdelay $0x3  }
0x17e: {  	v4 =	vshll.u32 v4, $0x10  }
0x17f: {  	v4 =	vor.u32 v5, v4  }
0x180: {  	[tilespmem:s11+$0xA0E0] =	vst v4  }
0x181: {  	v4 =	vld [tilespmem:s10+$0xF0]  }
0x182: {  	v5 =	vld [tilespmem:s10+$0xFFFFFEF0];
	_ =	sdelay $0x3  }
0x183: {  	v4 =	vshll.u32 v4, $0x10  }
0x184: {  	v4 =	vor.u32 v5, v4  }
0x185: {  	[tilespmem:s11+$0xA0F0] =	vst v4  }
0x186: {  	v4 =	vld [tilespmem:s10+$0x100]  }
0x187: {  	v5 =	vld [tilespmem:s10+$0xFFFFFF00];
	_ =	sdelay $0x3  }
0x188: {  	v4 =	vshll.u32 v4, $0x10  }
0x189: {  	v4 =	vor.u32 v5, v4  }
0x18a: {  	[tilespmem:s11+$0xA100] =	vst v4  }
0x18b: {  	v4 =	vld [tilespmem:s10+$0x110]  }
0x18c: {  	v5 =	vld [tilespmem:s10+$0xFFFFFF10];
	_ =	sdelay $0x3  }
0x18d: {  	v4 =	vshll.u32 v4, $0x10  }
0x18e: {  	v4 =	vor.u32 v5, v4  }
0x18f: {  	[tilespmem:s11+$0xA110] =	vst v4  }
0x190: {  	v4 =	vld [tilespmem:s10+$0x120]  }
0x191: {  	v5 =	vld [tilespmem:s10+$0xFFFFFF20];
	_ =	sdelay $0x3  }
0x192: {  	v4 =	vshll.u32 v4, $0x10  }
0x193: {  	v4 =	vor.u32 v5, v4  }
0x194: {  	[tilespmem:s11+$0xA120] =	vst v4  }
0x195: {  	v4 =	vld [tilespmem:s10+$0x130]  }
0x196: {  	v5 =	vld [tilespmem:s10+$0xFFFFFF30];
	_ =	sdelay $0x3  }
0x197: {  	v4 =	vshll.u32 v4, $0x10  }
0x198: {  	v4 =	vor.u32 v5, v4  }
0x199: {  	[tilespmem:s11+$0xA130] =	vst v4  }
0x19a: {  	v4 =	vld [tilespmem:s10+$0x140]  }
0x19b: {  	v5 =	vld [tilespmem:s10+$0xFFFFFF40];
	_ =	sdelay $0x3  }
0x19c: {  	v4 =	vshll.u32 v4, $0x10  }
0x19d: {  	v4 =	vor.u32 v5, v4  }
0x19e: {  	[tilespmem:s11+$0xA140] =	vst v4  }
0x19f: {  	v4 =	vld [tilespmem:s10+$0x150]  }
0x1a0: {  	v5 =	vld [tilespmem:s10+$0xFFFFFF50];
	_ =	sdelay $0x3  }
0x1a1: {  	v4 =	vshll.u32 v4, $0x10  }
0x1a2: {  	v4 =	vor.u32 v5, v4  }
0x1a3: {  	[tilespmem:s11+$0xA150] =	vst v4  }
0x1a4: {  	v4 =	vld [tilespmem:s10+$0x160]  }
0x1a5: {  	v5 =	vld [tilespmem:s10+$0xFFFFFF60];
	_ =	sdelay $0x3  }
0x1a6: {  	v4 =	vshll.u32 v4, $0x10  }
0x1a7: {  	v4 =	vor.u32 v5, v4  }
0x1a8: {  	[tilespmem:s11+$0xA160] =	vst v4  }
0x1a9: {  	v4 =	vld [tilespmem:s10+$0x170]  }
0x1aa: {  	v5 =	vld [tilespmem:s10+$0xFFFFFF70];
	_ =	sdelay $0x3  }
0x1ab: {  	v4 =	vshll.u32 v4, $0x10  }
0x1ac: {  	v4 =	vor.u32 v5, v4  }
0x1ad: {  	[tilespmem:s11+$0xA170] =	vst v4  }
0x1ae: {  	v4 =	vld [tilespmem:s10+$0x180]  }
0x1af: {  	v5 =	vld [tilespmem:s10+$0xFFFFFF80];
	_ =	sdelay $0x3  }
0x1b0: {  	v4 =	vshll.u32 v4, $0x10  }
0x1b1: {  	v4 =	vor.u32 v5, v4  }
0x1b2: {  	[tilespmem:s11+$0xA180] =	vst v4  }
0x1b3: {  	v4 =	vld [tilespmem:s10+$0x190]  }
0x1b4: {  	v5 =	vld [tilespmem:s10+$0xFFFFFF90];
	_ =	sdelay $0x3  }
0x1b5: {  	v4 =	vshll.u32 v4, $0x10  }
0x1b6: {  	v4 =	vor.u32 v5, v4  }
0x1b7: {  	[tilespmem:s11+$0xA190] =	vst v4  }
0x1b8: {  	v4 =	vld [tilespmem:s10+$0x1A0]  }
0x1b9: {  	v5 =	vld [tilespmem:s10+$0xFFFFFFA0];
	_ =	sdelay $0x3  }
0x1ba: {  	v4 =	vshll.u32 v4, $0x10  }
0x1bb: {  	v4 =	vor.u32 v5, v4  }
0x1bc: {  	[tilespmem:s11+$0xA1A0] =	vst v4  }
0x1bd: {  	v4 =	vld [tilespmem:s10+$0x1B0]  }
0x1be: {  	v5 =	vld [tilespmem:s10+$0xFFFFFFB0];
	_ =	sdelay $0x3  }
0x1bf: {  	v4 =	vshll.u32 v4, $0x10  }
0x1c0: {  	v4 =	vor.u32 v5, v4  }
0x1c1: {  	[tilespmem:s11+$0xA1B0] =	vst v4  }
0x1c2: {  	v4 =	vld [tilespmem:s10+$0x1C0]  }
0x1c3: {  	v5 =	vld [tilespmem:s10+$0xFFFFFFC0];
	_ =	sdelay $0x3  }
0x1c4: {  	v4 =	vshll.u32 v4, $0x10  }
0x1c5: {  	v4 =	vor.u32 v5, v4  }
0x1c6: {  	[tilespmem:s11+$0xA1C0] =	vst v4  }
0x1c7: {  	v4 =	vld [tilespmem:s10+$0x1D0]  }
0x1c8: {  	v5 =	vld [tilespmem:s10+$0xFFFFFFD0];
	_ =	sdelay $0x3  }
0x1c9: {  	v4 =	vshll.u32 v4, $0x10  }
0x1ca: {  	v4 =	vor.u32 v5, v4  }
0x1cb: {  	[tilespmem:s11+$0xA1D0] =	vst v4  }
0x1cc: {  	v4 =	vld [tilespmem:s10+$0x1E0]  }
0x1cd: {  	v5 =	vld [tilespmem:s10+$0xFFFFFFE0];
	_ =	sdelay $0x3  }
0x1ce: {  	v4 =	vshll.u32 v4, $0x10  }
0x1cf: {  	v4 =	vor.u32 v5, v4  }
0x1d0: {  	[tilespmem:s11+$0xA1E0] =	vst v4  }
0x1d1: {  	v4 =	vld [tilespmem:s10+$0x1F0]  }
0x1d2: {  	v5 =	vld [tilespmem:s10+$0xFFFFFFF0]  }
.Ltmp2:
0x1d3: {  	(pc) =	sbr.rel @p0 .LBB2_6-.Ltmp2, $3  }
0x1d4: {  	_ =	sdelay $0x1  }
0x1d5: {  	v4 =	vshll.u32 v4, $0x10  }
0x1d6: {  	v4 =	vor.u32 v5, v4  }
0x1d7: {  	s9 =	sadd.s32 $0x1, s9  }
0x1d8: {  	p0 =	sne.s32 s9, s5  }
.Ltmp3:
0x1d9: {  	[tilespmem:s11+$0xA1F0] =	vst v4;
	(pc) =	sbr.rel @p0 .LBB2_1-.Ltmp3, $4  }
0x1da: {  	[hbm4b:s4+s2] =	stream.linear.scatter [tilespmem:s8], [sflag:$0x1], $0x4000, $0x38;
	[tilespmem:$0xE000] =	vst v63  }
0x1db: {  	_ =	swait.ge [sflag:s6], $0x4000  }
0x1dc: {  	[sflag:s6] =	ssyncset.done $0x0  }
0x1dd: {  	[sflag:s6] =	ssyncadd.s32 $0xFFFFC000  }
0x1de: {  	_ =	sfence.sel $0x180000  }
0x1df: {  	[bflag:$0x0] =	sbarrier.arrive $0xFFFF  }
0x1e0: {  	p0 =	sne.s32 s0, $0x0;
	_ =	strace $0x90000047  }
0x1e1: {  	s0 =	sadd.s32 @!p0 $0x100000, s1;
	[bflag:$0x2] =	sbarrier.arrive $0xFFFF  }
0x1e2: {  	[sflag:s0] =	ssyncadd.tile.s32 @!p0 $0x1;
	_ =	shalt  }
.Lfunc_end2:
_tile_overlayer_lowered:
.L_overlay_start_2:
0x1e3: {  	(tag) =	ssettag $0x2  }
0x1e4: {  	s0 =	rddreg [dreg:$0x0];
	s2 =	stileid.u32  }
0x1e5: {  	s1 =	rddreg [dreg:$0x1];
	p0 =	sne.s32 s2, $0x0  }
0x1e6: {  	s3 =	rddreg [dreg:$0x2];
	[bflag:$0x3] =	sbarrier.arrive $0xFFFF;
	s2 =	simm.s32 @!p0 $0x1C01  }
0x1e7: {  	[timem:s3], [sflag:s2] =	dma.local @!p0 [hbm:s0], s1  }
0x1e8: {  	s0 =	simm.s32 @!p0 $0x1  }
0x1e9: {  	_ =	swait.ge @!p0 [sflag:s0], s1  }
0x1ea: {  	s1 =	ssub.s32 @!p0 $0x0, s1;
	[sflag:s0] =	ssyncset.done @!p0 $0x0  }
0x1eb: {  	[sflag:s0] =	ssyncadd.s32 @!p0 s1  }
0x1ec: {  	[bflag:$0x3] =	sbarrier.arrive $0xFFFF  }
0x1ed: {  	_ =	shalt  }

</sc_bundles>
